<compile_context>
chip_gen: v7x
topology: tpu7x:2x2x1
jax: 0.10.2.dev20260603
libtpu: 0.0.44.dev20260713+nightly
codegen_flags: <defaults>
</compile_context>

<pallas_src>
import functools

import jax
import jax.numpy as jnp
from jax import lax
from jax.experimental import pallas as pl
from jax.experimental.pallas import tpu as pltpu
from jax.experimental.pallas import tpu_sc as plsc

N = 10000
E = 320000
F = 128
H = 256
NPAD = 10240
RPT = NPAD // 16
CHUNK = 64
KC = 32
NB = 10
NBUF = 4
EPT = CHUNK * KC * NB
EPAD = EPT * 16
RBLK = 1024
GRID = NPAD // RBLK
_PREC = lax.Precision.DEFAULT



def _pre_body(x_ref, pp_ref, wst_ref, wnt_ref, b_ref,
              sel_ref, s_ref, z2_ref):
    x = x_ref[...]
    pp = pp_ref[...]
    sim = jnp.dot(x, pp.T, precision=_PREC)
    col = lax.broadcasted_iota(jnp.int32, sim.shape, 1)
    sim = jnp.where(col < 10, sim, -1e30)
    rowmax = jnp.max(sim, axis=1, keepdims=True)
    m = sim == rowmax
    first_idx = jnp.min(jnp.where(m, col, 16), axis=1, keepdims=True)
    oh = (col == first_idx).astype(jnp.float32)
    sel = jnp.dot(oh, pp, precision=_PREC)
    h0 = jnp.concatenate([x, sel], axis=1)
    sel_ref[...] = sel
    s_ref[...] = jnp.dot(h0, wst_ref[...], precision=_PREC) + b_ref[...]
    z = jnp.dot(h0, wnt_ref[...], precision=_PREC)
    z2_ref[0] = z[:, :F]
    z2_ref[1] = z[:, F:]


def _mid_body(s_ref, agg_ref, deg_ref, wst_ref, wnt_ref, b_ref,
              s2_ref, z2_ref):
    recip = 1.0 / jnp.maximum(deg_ref[...], 1.0)
    mean = jnp.concatenate([agg_ref[0], agg_ref[1]], axis=1) * recip
    h = jnp.maximum(s_ref[...] + mean, 0.0)
    s2_ref[...] = jnp.dot(h, wst_ref[...], precision=_PREC) + b_ref[...]
    z = jnp.dot(h, wnt_ref[...], precision=_PREC)
    z2_ref[0] = z[:, :F]
    z2_ref[1] = z[:, F:]


def _fin_body(s_ref, agg_ref, deg_ref, sel_ref, wph_ref, wps_ref,
              out_ref):
    recip = 1.0 / jnp.maximum(deg_ref[...], 1.0)
    mean = jnp.concatenate([agg_ref[0], agg_ref[1]], axis=1) * recip
    h = jnp.maximum(s_ref[...] + mean, 0.0)
    sel = jnp.maximum(sel_ref[...], 0.0)
    out_ref[...] = (jnp.dot(h, wph_ref[...], precision=_PREC)
                    + jnp.dot(sel, wps_ref[...], precision=_PREC))


def _row_spec(cols):
    return pl.BlockSpec((RBLK, cols), lambda i: (i, 0))


_Z2_SPEC = pl.BlockSpec((2, RBLK, F), lambda i: (0, i, 0))
_W_SPEC = pl.BlockSpec((H, H), lambda i: (0, 0))
_B_SPEC = pl.BlockSpec((1, H), lambda i: (0, 0))
_DEG_SPEC = pl.BlockSpec((RBLK, 1), lambda i: (i, 0))

_pre_call = pl.pallas_call(
    _pre_body,
    grid=(GRID,),
    in_specs=[_row_spec(F), pl.BlockSpec((16, F), lambda i: (0, 0)),
              _W_SPEC, _W_SPEC, _B_SPEC],
    out_specs=[_row_spec(F), _row_spec(H), _Z2_SPEC],
    out_shape=[jax.ShapeDtypeStruct((NPAD, F), jnp.float32),
               jax.ShapeDtypeStruct((NPAD, H), jnp.float32),
               jax.ShapeDtypeStruct((2, NPAD, F), jnp.float32)],
)

_mid_call = pl.pallas_call(
    _mid_body,
    grid=(GRID,),
    in_specs=[_row_spec(H), _Z2_SPEC, _DEG_SPEC, _W_SPEC, _W_SPEC, _B_SPEC],
    out_specs=[_row_spec(H), _Z2_SPEC],
    out_shape=[jax.ShapeDtypeStruct((NPAD, H), jnp.float32),
               jax.ShapeDtypeStruct((2, NPAD, F), jnp.float32)],
)

_fin_call = pl.pallas_call(
    _fin_body,
    grid=(GRID,),
    in_specs=[_row_spec(H), _Z2_SPEC, _DEG_SPEC, _row_spec(F),
              pl.BlockSpec((H, 16), lambda i: (0, 0)),
              pl.BlockSpec((F, 16), lambda i: (0, 0))],
    out_specs=[_row_spec(16)],
    out_shape=[jax.ShapeDtypeStruct((NPAD, 16), jnp.float32)],
)



@functools.lru_cache(maxsize=None)
def _build_seg(with_deg):
    mesh = plsc.VectorSubcoreMesh(core_axis_name="c", subcore_axis_name="s")
    out_type = [jax.ShapeDtypeStruct((2 * NPAD, F), jnp.float32)]
    if with_deg:
        out_type.append(jax.ShapeDtypeStruct((NPAD,), jnp.float32))
    scratch = [
        pltpu.VMEM((KC, CHUNK), jnp.int32),
        pltpu.VMEM((KC, CHUNK), jnp.int32),
        pltpu.VMEM((NBUF, CHUNK, F), jnp.float32),
        pltpu.VMEM_SHARED((NPAD, F), jnp.float32),
        pltpu.SemaphoreType.DMA,
        pltpu.SemaphoreType.DMA,
    ]
    if with_deg:
        scratch += [
            pltpu.VMEM((CHUNK,), jnp.float32),
            pltpu.VMEM_SHARED((NPAD,), jnp.float32),
            pltpu.SemaphoreType.DMA,
        ]

    def body(*refs):
        if with_deg:
            (z2, srcab, dst3, zrows, zrow1, ones_h,
             agg_out, deg_out,
             srcv, dstv, rows, acc, gsem, ssem, onesv, dacc, dsem) = refs
        else:
            (z2, srcab, dst3, zrows,
             agg_out,
             srcv, dstv, rows, acc, gsem, ssem) = refs
        cid = lax.axis_index("c")
        tid = lax.axis_index("s")
        pltpu.sync_copy(zrows, acc.at[pl.ds(tid * RPT, RPT)])
        if with_deg:
            pltpu.sync_copy(ones_h, onesv)

            @pl.when(cid == 1)
            def _():
                pltpu.sync_copy(zrow1, dacc.at[pl.ds(tid * RPT, RPT)])

        plsc.subcore_barrier()

        def blk(b, carry):
            pltpu.sync_copy(srcab.at[cid].at[tid].at[b], srcv)
            pltpu.sync_copy(dst3.at[tid].at[b], dstv)
            if with_deg:
                @pl.when(cid == 1)
                def _():
                    def dfire(jj, c3):
                        pltpu.async_copy(onesv, dacc.at[dstv.at[jj]], dsem,
                                         add=True)
                        return c3
                    lax.fori_loop(0, KC, dfire, 0)
            for p in range(NBUF):
                pltpu.async_copy(z2.at[srcv.at[p]], rows.at[p], gsem)

            def step(j, c2):
                r = jnp.bitwise_and(j, NBUF - 1)
                pltpu.make_async_copy(z2.at[srcv.at[j]], rows.at[r],
                                      gsem).wait()
                pltpu.sync_copy(rows.at[r], acc.at[dstv.at[j]], add=True)

                @pl.when(j + NBUF < KC)
                def _():
                    pltpu.async_copy(z2.at[srcv.at[j + NBUF]], rows.at[r],
                                     gsem)
                return c2

            lax.fori_loop(0, KC, step, 0)
            if with_deg:
                @pl.when(cid == 1)
                def _():
                    def ddrain(jj, c3):
                        pltpu.make_async_copy(onesv, dacc.at[dstv.at[jj]],
                                              dsem).wait()
                        return c3
                    lax.fori_loop(0, KC, ddrain, 0)
            return carry

        lax.fori_loop(0, NB, blk, 0)
        plsc.subcore_barrier()
        pltpu.sync_copy(acc.at[pl.ds(tid * RPT, RPT)],
                        agg_out.at[pl.ds(cid * NPAD + tid * RPT, RPT)])
        if with_deg:
            @pl.when(cid == 1)
            def _():
                pltpu.sync_copy(dacc.at[pl.ds(tid * RPT, RPT)],
                                deg_out.at[pl.ds(tid * RPT, RPT)])

    return pl.kernel(body, mesh=mesh, out_type=out_type,
                     scratch_types=scratch)



def kernel(x, edge_index, pp, ws0, wn0, b0, ws1, wn1, b1, ws2, wn2, b2, wp):
    f32 = jnp.float32
    x_pad = jnp.zeros((NPAD, F), f32).at[:N].set(x)
    pp16 = jnp.zeros((16, F), f32).at[:10].set(pp)

    src = edge_index[0]
    dst = edge_index[1]
    pad = EPAD - E
    src_p = jnp.concatenate([src, jnp.zeros((pad,), jnp.int32)])
    dst_p = jnp.concatenate([dst, jnp.full((pad,), NPAD - 1, jnp.int32)])
    src3 = src_p.reshape(16, NB, KC, CHUNK)
    srcab = jnp.stack([src3, src3 + NPAD])
    dst3 = dst_p.reshape(16, NB, KC, CHUNK)

    zrows = jnp.zeros((RPT, F), f32)
    zrow1 = jnp.zeros((RPT,), f32)
    ones_h = jnp.ones((CHUNK,), f32)

    b0r = b0.reshape(1, H)
    b1r = b1.reshape(1, H)
    b2r = b2.reshape(1, H)
    wpt = jnp.zeros((H + F, 16), f32).at[:, :10].set(wp.T)

    sel, s0, z2 = _pre_call(x_pad, pp16, ws0.T, wn0.T, b0r)
    agg, deg = _build_seg(True)(z2.reshape(2 * NPAD, F), srcab, dst3,
                                zrows, zrow1, ones_h)
    deg2 = deg.reshape(NPAD, 1)
    s1, z2 = _mid_call(s0, agg.reshape(2, NPAD, F), deg2, ws1.T, wn1.T, b1r)
    (agg,) = _build_seg(False)(z2.reshape(2 * NPAD, F), srcab, dst3, zrows)
    s2, z2 = _mid_call(s1, agg.reshape(2, NPAD, F), deg2, ws2.T, wn2.T, b2r)
    (agg,) = _build_seg(False)(z2.reshape(2 * NPAD, F), srcab, dst3, zrows)
    out = _fin_call(s2, agg.reshape(2, NPAD, F), deg2, sel,
                    wpt[:H], wpt[H:])
    return out[0][:N, :10]

# --- scband reference (transcript-rebuilt; emitter-appended) ---
"""Pipeline reference for scband-sage-23794118820008 (READ-ONLY COPY).

The authoritative reference and input builder live on the scoring server;
editing this copy changes nothing except your own understanding.
"""

import jax, jax.numpy as jnp
import numpy as np

N = 10000
E = 320000
IN_FEATS = 128
N_HIDDEN = 256
N_CLASSES = 10


def setup_inputs(seed: int = 0) -> dict:
    key = jax.random.key(seed)
    ks = jax.random.split(key, 16)
    x = jax.random.normal(ks[0], (N, IN_FEATS), dtype=jnp.float32)
    edge_index = jax.random.randint(ks[1], (2, E), 0, N, dtype=jnp.int32)
    pp = jax.random.normal(ks[2], (N_CLASSES, IN_FEATS), dtype=jnp.float32) * 0.1
    d0 = 2 * IN_FEATS
    ws0 = jax.random.normal(ks[3], (N_HIDDEN, d0), dtype=jnp.float32) / np.sqrt(d0)
    wn0 = jax.random.normal(ks[4], (N_HIDDEN, d0), dtype=jnp.float32) / np.sqrt(d0)
    b0 = jnp.zeros((N_HIDDEN,), dtype=jnp.float32)
    ws1 = jax.random.normal(ks[5], (N_HIDDEN, N_HIDDEN), dtype=jnp.float32) / np.sqrt(N_HIDDEN)
    wn1 = jax.random.normal(ks[6], (N_HIDDEN, N_HIDDEN), dtype=jnp.float32) / np.sqrt(N_HIDDEN)
    b1 = jnp.zeros((N_HIDDEN,), dtype=jnp.float32)
    ws2 = jax.random.normal(ks[7], (N_HIDDEN, N_HIDDEN), dtype=jnp.float32) / np.sqrt(N_HIDDEN)
    wn2 = jax.random.normal(ks[8], (N_HIDDEN, N_HIDDEN), dtype=jnp.float32) / np.sqrt(N_HIDDEN)
    b2 = jnp.zeros((N_HIDDEN,), dtype=jnp.float32)
    wp = jax.random.normal(ks[9], (N_CLASSES, N_HIDDEN + IN_FEATS), dtype=jnp.float32) / np.sqrt(N_HIDDEN + IN_FEATS)
    return {"x": x, "edge_index": edge_index, "pp": pp,
            "ws0": ws0, "wn0": wn0, "b0": b0,
            "ws1": ws1, "wn1": wn1, "b1": b1,
            "ws2": ws2, "wn2": wn2, "b2": b2,
            "wp": wp}


def _sage_conv(h, edge_index, ws, wn, b):
    # DGL SAGEConv 'mean': fc_self(h) + fc_neigh(mean over in-neighbors) + bias
    src = edge_index[0]
    dst = edge_index[1]
    msg = h[src]
    summed = jax.ops.segment_sum(msg, dst, num_segments=h.shape[0])
    deg = jax.ops.segment_sum(jnp.ones((edge_index.shape[1],), dtype=h.dtype), dst, num_segments=h.shape[0])
    mean = summed / jnp.maximum(deg, 1.0)[:, None]
    return h @ ws.T + mean @ wn.T + b


def reference(x, edge_index, pp, ws0, wn0, b0, ws1, wn1, b1, ws2, wn2, b2, wp):
    # prompt selection
    sim = x @ pp.T                       # [N, C]
    idx = jnp.argmax(sim, axis=1)        # [N]
    sel = pp[idx]                        # [N, IN_FEATS] gather
    h = jnp.concatenate([x, sel], axis=1)  # [N, 2*IN_FEATS]
    # 3 SAGE layers (dropout is identity in eval)
    h = _sage_conv(h, edge_index, ws0, wn0, b0)
    h = jax.nn.relu(h)
    h = _sage_conv(h, edge_index, ws1, wn1, b1)
    h = jax.nn.relu(h)
    h = _sage_conv(h, edge_index, ws2, wn2, b2)
    h = jax.nn.relu(h)
    h = jnp.concatenate([h, sel], axis=1)
    h = jax.nn.relu(h)
    out = h @ wp.T                       # [N, N_CLASSES]
    return out

if __name__ == "__main__":
    import jax
    _d = setup_inputs()
    print(jax.jit(kernel)(*tuple(_d.values())))

</pallas_src>

<mosaic_0001>
#map = affine_map<(d0, d1) -> (0, 0)>
#map1 = affine_map<(d0, d1) -> (0, 0, 0, 0, 0)>
#map2 = affine_map<(d0, d1) -> (0, 0, 0, 0)>
#map3 = affine_map<(d0, d1) -> (0)>
module attributes {stable_mosaic.version = 14 : i64} {
  func.func @body(%arg0: i32, %arg1: i32, %arg2: memref<20480x128xf32, #tpu.memory_space<hbm>>, %arg3: memref<2x16x10x32x64xi32, #tpu.memory_space<hbm>>, %arg4: memref<16x10x32x64xi32, #tpu.memory_space<hbm>>, %arg5: memref<640x128xf32, #tpu.memory_space<hbm>>, %arg6: memref<640xf32, #tpu.memory_space<hbm>>, %arg7: memref<64xf32, #tpu.memory_space<hbm>>, %arg8: memref<20480x128xf32, #tpu.memory_space<hbm>>, %arg9: memref<10240xf32, #tpu.memory_space<hbm>>, %arg10: memref<32x64xi32, #tpu.memory_space<vmem>>, %arg11: memref<32x64xi32, #tpu.memory_space<vmem>>, %arg12: memref<4x64x128xf32, #tpu.memory_space<vmem>>, %arg13: memref<10240x128xf32, #tpu.memory_space<vmem_shared>>, %arg14: memref<!tpu.dma_semaphore, #tpu.memory_space<semaphore_mem>>, %arg15: memref<!tpu.dma_semaphore, #tpu.memory_space<semaphore_mem>>, %arg16: memref<64xf32, #tpu.memory_space<vmem>>, %arg17: memref<10240xf32, #tpu.memory_space<vmem_shared>>, %arg18: memref<!tpu.dma_semaphore, #tpu.memory_space<semaphore_mem>>) attributes {dimension_semantics = [#tpu.dimension_semantics<core_parallel>, #tpu.dimension_semantics<subcore_parallel>], iteration_bounds = array<i64: 2, 16>, scalar_prefetch = 0 : i64, scratch_operands = 9 : i64, tpu.core_type = #tpu.core_type<sc_vector_subcore>, window_params = [{transform_indices = #map}, {transform_indices = #map1}, {transform_indices = #map2}, {transform_indices = #map}, {transform_indices = #map3}, {transform_indices = #map3}, {transform_indices = #map}, {transform_indices = #map3}]} {
    %mul3A = arith.constant 640 : i32
    %mul3A_0 = arith.muli %arg1, %mul3A : i32
    "tpu.region"() ({
      %run_scoped3A = tpu.sem_alloc : memref<!tpu.dma_semaphore, #tpu.memory_space<semaphore_mem>>
      %dma_start3A = arith.constant 0 : i32
      %dma_start3A_20 = tpu.memref_slice %arg13[%mul3A_0, %dma_start3A] : memref<10240x128xf32, #tpu.memory_space<vmem_shared>> -> memref<640x128xf32, #tpu.memory_space<vmem_shared>>
      tpu.enqueue_dma source(%arg5 : memref<640x128xf32, #tpu.memory_space<hbm>>) target(%dma_start3A_20 : memref<640x128xf32, #tpu.memory_space<vmem_shared>>) target_semaphore(%run_scoped3A : memref<!tpu.dma_semaphore, #tpu.memory_space<semaphore_mem>>)
      %dma_wait3A = arith.constant 0 : i32
      %dma_wait3A_21 = tpu.memref_slice %arg13[%mul3A_0, %dma_wait3A] : memref<10240x128xf32, #tpu.memory_space<vmem_shared>> -> memref<640x128xf32, #tpu.memory_space<vmem_shared>>
      tpu.wait_dma2 semaphore(%run_scoped3A : memref<!tpu.dma_semaphore, #tpu.memory_space<semaphore_mem>>) src(%arg5 : memref<640x128xf32, #tpu.memory_space<hbm>>) dst(%dma_wait3A_21 : memref<640x128xf32, #tpu.memory_space<vmem_shared>>)
      tpu.yield
    }) : () -> ()
    "tpu.region"() ({
      %run_scoped3A = tpu.sem_alloc : memref<!tpu.dma_semaphore, #tpu.memory_space<semaphore_mem>>
      tpu.enqueue_dma source(%arg7 : memref<64xf32, #tpu.memory_space<hbm>>) target(%arg16 : memref<64xf32, #tpu.memory_space<vmem>>) target_semaphore(%run_scoped3A : memref<!tpu.dma_semaphore, #tpu.memory_space<semaphore_mem>>)
      tpu.wait_dma2 semaphore(%run_scoped3A : memref<!tpu.dma_semaphore, #tpu.memory_space<semaphore_mem>>) src(%arg7 : memref<64xf32, #tpu.memory_space<hbm>>) dst(%arg16 : memref<64xf32, #tpu.memory_space<vmem>>)
      tpu.yield
    }) : () -> ()
    %eq3A = arith.constant 1 : i32
    %eq3A_1 = arith.cmpi eq, %arg0, %eq3A : i32
    %convert_element_type3A = arith.extui %eq3A_1 : i1 to i32
    %cond3A = arith.constant 0 : i32
    %cond3A_2 = arith.cmpi ne, %convert_element_type3A, %cond3A : i32
    scf.if %cond3A_2 {
      %mul3A_20 = arith.constant 640 : i32
      %mul3A_21 = arith.muli %arg1, %mul3A_20 : i32
      "tpu.region"() ({
        %run_scoped3A = tpu.sem_alloc : memref<!tpu.dma_semaphore, #tpu.memory_space<semaphore_mem>>
        %dma_start3A = tpu.memref_slice %arg17[%mul3A_21] : memref<10240xf32, #tpu.memory_space<vmem_shared>> -> memref<640xf32, #tpu.memory_space<vmem_shared>>
        tpu.enqueue_dma source(%arg6 : memref<640xf32, #tpu.memory_space<hbm>>) target(%dma_start3A : memref<640xf32, #tpu.memory_space<vmem_shared>>) target_semaphore(%run_scoped3A : memref<!tpu.dma_semaphore, #tpu.memory_space<semaphore_mem>>)
        %dma_wait3A = tpu.memref_slice %arg17[%mul3A_21] : memref<10240xf32, #tpu.memory_space<vmem_shared>> -> memref<640xf32, #tpu.memory_space<vmem_shared>>
        tpu.wait_dma2 semaphore(%run_scoped3A : memref<!tpu.dma_semaphore, #tpu.memory_space<semaphore_mem>>) src(%arg6 : memref<640xf32, #tpu.memory_space<hbm>>) dst(%dma_wait3A : memref<640xf32, #tpu.memory_space<vmem_shared>>)
        tpu.yield
      }) : () -> ()
    } else {
    }
    %barrier3A = arith.constant 0 : index
    tpu.barrier barrier_id(%barrier3A)
    %scan3A = arith.constant 0 : i32
    %scan3A_3 = arith.constant 0 : i32
    %scan3A_4 = arith.constant 10 : i32
    %scan3A_5 = arith.addi %scan3A_3, %scan3A_4 : i32
    %scan3A_6 = arith.constant 1 : i32
    scf.for %scan3A_20 = %scan3A_3 to %scan3A_5 step %scan3A_6  : i32 {
      "tpu.region"() ({
        %run_scoped3A = tpu.sem_alloc : memref<!tpu.dma_semaphore, #tpu.memory_space<semaphore_mem>>
        %dma_start3A_84 = arith.constant 0 : i32
        %dma_start3A_85 = arith.constant 0 : i32
        %dma_start3A_86 = arith.constant 0 : i32
        %dma_start3A_87 = arith.constant 0 : i32
        %dma_start3A_88 = tpu.memref_slice %arg3[%arg0, %dma_start3A_84, %dma_start3A_85, %dma_start3A_86, %dma_start3A_87] : memref<2x16x10x32x64xi32, #tpu.memory_space<hbm>> -> memref<1x16x10x32x64xi32, #tpu.memory_space<hbm>>
        %dma_start3A_89 = tpu.memref_squeeze %dma_start3A_88 : memref<1x16x10x32x64xi32, #tpu.memory_space<hbm>> -> memref<16x10x32x64xi32, #tpu.memory_space<hbm>>
        %dma_start3A_90 = arith.constant 0 : i32
        %dma_start3A_91 = arith.constant 0 : i32
        %dma_start3A_92 = arith.constant 0 : i32
        %dma_start3A_93 = tpu.memref_slice %dma_start3A_89[%arg1, %dma_start3A_90, %dma_start3A_91, %dma_start3A_92] : memref<16x10x32x64xi32, #tpu.memory_space<hbm>> -> memref<1x10x32x64xi32, #tpu.memory_space<hbm>>
        %dma_start3A_94 = tpu.memref_squeeze %dma_start3A_93 : memref<1x10x32x64xi32, #tpu.memory_space<hbm>> -> memref<10x32x64xi32, #tpu.memory_space<hbm>>
        %dma_start3A_95 = arith.constant 0 : i32
        %dma_start3A_96 = arith.constant 0 : i32
        %dma_start3A_97 = tpu.memref_slice %dma_start3A_94[%scan3A_20, %dma_start3A_95, %dma_start3A_96] : memref<10x32x64xi32, #tpu.memory_space<hbm>> -> memref<1x32x64xi32, #tpu.memory_space<hbm>>
        %dma_start3A_98 = tpu.memref_squeeze %dma_start3A_97 : memref<1x32x64xi32, #tpu.memory_space<hbm>> -> memref<32x64xi32, #tpu.memory_space<hbm>>
        %dma_start3A_99 = arith.constant 0 : i32
        %dma_start3A_100 = arith.constant 0 : i32
        %dma_start3A_101 = arith.constant 0 : i32
        %dma_start3A_102 = arith.constant 0 : i32
        %dma_start3A_103 = tpu.memref_slice %arg3[%arg0, %dma_start3A_99, %dma_start3A_100, %dma_start3A_101, %dma_start3A_102] : memref<2x16x10x32x64xi32, #tpu.memory_space<hbm>> -> memref<1x16x10x32x64xi32, #tpu.memory_space<hbm>>
        %dma_start3A_104 = tpu.memref_squeeze %dma_start3A_103 : memref<1x16x10x32x64xi32, #tpu.memory_space<hbm>> -> memref<16x10x32x64xi32, #tpu.memory_space<hbm>>
        %dma_start3A_105 = arith.constant 0 : i32
        %dma_start3A_106 = arith.constant 0 : i32
        %dma_start3A_107 = arith.constant 0 : i32
        %dma_start3A_108 = tpu.memref_slice %dma_start3A_104[%arg1, %dma_start3A_105, %dma_start3A_106, %dma_start3A_107] : memref<16x10x32x64xi32, #tpu.memory_space<hbm>> -> memref<1x10x32x64xi32, #tpu.memory_space<hbm>>
        %dma_start3A_109 = tpu.memref_squeeze %dma_start3A_108 : memref<1x10x32x64xi32, #tpu.memory_space<hbm>> -> memref<10x32x64xi32, #tpu.memory_space<hbm>>
        %dma_start3A_110 = arith.constant 0 : i32
        %dma_start3A_111 = arith.constant 0 : i32
        %dma_start3A_112 = tpu.memref_slice %dma_start3A_109[%scan3A_20, %dma_start3A_110, %dma_start3A_111] : memref<10x32x64xi32, #tpu.memory_space<hbm>> -> memref<1x32x64xi32, #tpu.memory_space<hbm>>
        %dma_start3A_113 = tpu.memref_squeeze %dma_start3A_112 : memref<1x32x64xi32, #tpu.memory_space<hbm>> -> memref<32x64xi32, #tpu.memory_space<hbm>>
        tpu.enqueue_dma source(%dma_start3A_113 : memref<32x64xi32, #tpu.memory_space<hbm>>) target(%arg10 : memref<32x64xi32, #tpu.memory_space<vmem>>) target_semaphore(%run_scoped3A : memref<!tpu.dma_semaphore, #tpu.memory_space<semaphore_mem>>)
        %dma_wait3A = arith.constant 0 : i32
        %dma_wait3A_114 = arith.constant 0 : i32
        %dma_wait3A_115 = arith.constant 0 : i32
        %dma_wait3A_116 = arith.constant 0 : i32
        %dma_wait3A_117 = tpu.memref_slice %arg3[%arg0, %dma_wait3A, %dma_wait3A_114, %dma_wait3A_115, %dma_wait3A_116] : memref<2x16x10x32x64xi32, #tpu.memory_space<hbm>> -> memref<1x16x10x32x64xi32, #tpu.memory_space<hbm>>
        %dma_wait3A_118 = tpu.memref_squeeze %dma_wait3A_117 : memref<1x16x10x32x64xi32, #tpu.memory_space<hbm>> -> memref<16x10x32x64xi32, #tpu.memory_space<hbm>>
        %dma_wait3A_119 = arith.constant 0 : i32
        %dma_wait3A_120 = arith.constant 0 : i32
        %dma_wait3A_121 = arith.constant 0 : i32
        %dma_wait3A_122 = tpu.memref_slice %dma_wait3A_118[%arg1, %dma_wait3A_119, %dma_wait3A_120, %dma_wait3A_121] : memref<16x10x32x64xi32, #tpu.memory_space<hbm>> -> memref<1x10x32x64xi32, #tpu.memory_space<hbm>>
        %dma_wait3A_123 = tpu.memref_squeeze %dma_wait3A_122 : memref<1x10x32x64xi32, #tpu.memory_space<hbm>> -> memref<10x32x64xi32, #tpu.memory_space<hbm>>
        %dma_wait3A_124 = arith.constant 0 : i32
        %dma_wait3A_125 = arith.constant 0 : i32
        %dma_wait3A_126 = tpu.memref_slice %dma_wait3A_123[%scan3A_20, %dma_wait3A_124, %dma_wait3A_125] : memref<10x32x64xi32, #tpu.memory_space<hbm>> -> memref<1x32x64xi32, #tpu.memory_space<hbm>>
        %dma_wait3A_127 = tpu.memref_squeeze %dma_wait3A_126 : memref<1x32x64xi32, #tpu.memory_space<hbm>> -> memref<32x64xi32, #tpu.memory_space<hbm>>
        %dma_wait3A_128 = arith.constant 0 : i32
        %dma_wait3A_129 = arith.constant 0 : i32
        %dma_wait3A_130 = arith.constant 0 : i32
        %dma_wait3A_131 = arith.constant 0 : i32
        %dma_wait3A_132 = tpu.memref_slice %arg3[%arg0, %dma_wait3A_128, %dma_wait3A_129, %dma_wait3A_130, %dma_wait3A_131] : memref<2x16x10x32x64xi32, #tpu.memory_space<hbm>> -> memref<1x16x10x32x64xi32, #tpu.memory_space<hbm>>
        %dma_wait3A_133 = tpu.memref_squeeze %dma_wait3A_132 : memref<1x16x10x32x64xi32, #tpu.memory_space<hbm>> -> memref<16x10x32x64xi32, #tpu.memory_space<hbm>>
        %dma_wait3A_134 = arith.constant 0 : i32
        %dma_wait3A_135 = arith.constant 0 : i32
        %dma_wait3A_136 = arith.constant 0 : i32
        %dma_wait3A_137 = tpu.memref_slice %dma_wait3A_133[%arg1, %dma_wait3A_134, %dma_wait3A_135, %dma_wait3A_136] : memref<16x10x32x64xi32, #tpu.memory_space<hbm>> -> memref<1x10x32x64xi32, #tpu.memory_space<hbm>>
        %dma_wait3A_138 = tpu.memref_squeeze %dma_wait3A_137 : memref<1x10x32x64xi32, #tpu.memory_space<hbm>> -> memref<10x32x64xi32, #tpu.memory_space<hbm>>
        %dma_wait3A_139 = arith.constant 0 : i32
        %dma_wait3A_140 = arith.constant 0 : i32
        %dma_wait3A_141 = tpu.memref_slice %dma_wait3A_138[%scan3A_20, %dma_wait3A_139, %dma_wait3A_140] : memref<10x32x64xi32, #tpu.memory_space<hbm>> -> memref<1x32x64xi32, #tpu.memory_space<hbm>>
        %dma_wait3A_142 = tpu.memref_squeeze %dma_wait3A_141 : memref<1x32x64xi32, #tpu.memory_space<hbm>> -> memref<32x64xi32, #tpu.memory_space<hbm>>
        tpu.wait_dma2 semaphore(%run_scoped3A : memref<!tpu.dma_semaphore, #tpu.memory_space<semaphore_mem>>) src(%dma_wait3A_142 : memref<32x64xi32, #tpu.memory_space<hbm>>) dst(%arg10 : memref<32x64xi32, #tpu.memory_space<vmem>>)
        tpu.yield
      }) : () -> ()
      "tpu.region"() ({
        %run_scoped3A = tpu.sem_alloc : memref<!tpu.dma_semaphore, #tpu.memory_space<semaphore_mem>>
        %dma_start3A_84 = arith.constant 0 : i32
        %dma_start3A_85 = arith.constant 0 : i32
        %dma_start3A_86 = arith.constant 0 : i32
        %dma_start3A_87 = tpu.memref_slice %arg4[%arg1, %dma_start3A_84, %dma_start3A_85, %dma_start3A_86] : memref<16x10x32x64xi32, #tpu.memory_space<hbm>> -> memref<1x10x32x64xi32, #tpu.memory_space<hbm>>
        %dma_start3A_88 = tpu.memref_squeeze %dma_start3A_87 : memref<1x10x32x64xi32, #tpu.memory_space<hbm>> -> memref<10x32x64xi32, #tpu.memory_space<hbm>>
        %dma_start3A_89 = arith.constant 0 : i32
        %dma_start3A_90 = arith.constant 0 : i32
        %dma_start3A_91 = tpu.memref_slice %dma_start3A_88[%scan3A_20, %dma_start3A_89, %dma_start3A_90] : memref<10x32x64xi32, #tpu.memory_space<hbm>> -> memref<1x32x64xi32, #tpu.memory_space<hbm>>
        %dma_start3A_92 = tpu.memref_squeeze %dma_start3A_91 : memref<1x32x64xi32, #tpu.memory_space<hbm>> -> memref<32x64xi32, #tpu.memory_space<hbm>>
        %dma_start3A_93 = arith.constant 0 : i32
        %dma_start3A_94 = arith.constant 0 : i32
        %dma_start3A_95 = arith.constant 0 : i32
        %dma_start3A_96 = tpu.memref_slice %arg4[%arg1, %dma_start3A_93, %dma_start3A_94, %dma_start3A_95] : memref<16x10x32x64xi32, #tpu.memory_space<hbm>> -> memref<1x10x32x64xi32, #tpu.memory_space<hbm>>
        %dma_start3A_97 = tpu.memref_squeeze %dma_start3A_96 : memref<1x10x32x64xi32, #tpu.memory_space<hbm>> -> memref<10x32x64xi32, #tpu.memory_space<hbm>>
        %dma_start3A_98 = arith.constant 0 : i32
        %dma_start3A_99 = arith.constant 0 : i32
        %dma_start3A_100 = tpu.memref_slice %dma_start3A_97[%scan3A_20, %dma_start3A_98, %dma_start3A_99] : memref<10x32x64xi32, #tpu.memory_space<hbm>> -> memref<1x32x64xi32, #tpu.memory_space<hbm>>
        %dma_start3A_101 = tpu.memref_squeeze %dma_start3A_100 : memref<1x32x64xi32, #tpu.memory_space<hbm>> -> memref<32x64xi32, #tpu.memory_space<hbm>>
        tpu.enqueue_dma source(%dma_start3A_101 : memref<32x64xi32, #tpu.memory_space<hbm>>) target(%arg11 : memref<32x64xi32, #tpu.memory_space<vmem>>) target_semaphore(%run_scoped3A : memref<!tpu.dma_semaphore, #tpu.memory_space<semaphore_mem>>)
        %dma_wait3A = arith.constant 0 : i32
        %dma_wait3A_102 = arith.constant 0 : i32
        %dma_wait3A_103 = arith.constant 0 : i32
        %dma_wait3A_104 = tpu.memref_slice %arg4[%arg1, %dma_wait3A, %dma_wait3A_102, %dma_wait3A_103] : memref<16x10x32x64xi32, #tpu.memory_space<hbm>> -> memref<1x10x32x64xi32, #tpu.memory_space<hbm>>
        %dma_wait3A_105 = tpu.memref_squeeze %dma_wait3A_104 : memref<1x10x32x64xi32, #tpu.memory_space<hbm>> -> memref<10x32x64xi32, #tpu.memory_space<hbm>>
        %dma_wait3A_106 = arith.constant 0 : i32
        %dma_wait3A_107 = arith.constant 0 : i32
        %dma_wait3A_108 = tpu.memref_slice %dma_wait3A_105[%scan3A_20, %dma_wait3A_106, %dma_wait3A_107] : memref<10x32x64xi32, #tpu.memory_space<hbm>> -> memref<1x32x64xi32, #tpu.memory_space<hbm>>
        %dma_wait3A_109 = tpu.memref_squeeze %dma_wait3A_108 : memref<1x32x64xi32, #tpu.memory_space<hbm>> -> memref<32x64xi32, #tpu.memory_space<hbm>>
        %dma_wait3A_110 = arith.constant 0 : i32
        %dma_wait3A_111 = arith.constant 0 : i32
        %dma_wait3A_112 = arith.constant 0 : i32
        %dma_wait3A_113 = tpu.memref_slice %arg4[%arg1, %dma_wait3A_110, %dma_wait3A_111, %dma_wait3A_112] : memref<16x10x32x64xi32, #tpu.memory_space<hbm>> -> memref<1x10x32x64xi32, #tpu.memory_space<hbm>>
        %dma_wait3A_114 = tpu.memref_squeeze %dma_wait3A_113 : memref<1x10x32x64xi32, #tpu.memory_space<hbm>> -> memref<10x32x64xi32, #tpu.memory_space<hbm>>
        %dma_wait3A_115 = arith.constant 0 : i32
        %dma_wait3A_116 = arith.constant 0 : i32
        %dma_wait3A_117 = tpu.memref_slice %dma_wait3A_114[%scan3A_20, %dma_wait3A_115, %dma_wait3A_116] : memref<10x32x64xi32, #tpu.memory_space<hbm>> -> memref<1x32x64xi32, #tpu.memory_space<hbm>>
        %dma_wait3A_118 = tpu.memref_squeeze %dma_wait3A_117 : memref<1x32x64xi32, #tpu.memory_space<hbm>> -> memref<32x64xi32, #tpu.memory_space<hbm>>
        tpu.wait_dma2 semaphore(%run_scoped3A : memref<!tpu.dma_semaphore, #tpu.memory_space<semaphore_mem>>) src(%dma_wait3A_118 : memref<32x64xi32, #tpu.memory_space<hbm>>) dst(%arg11 : memref<32x64xi32, #tpu.memory_space<vmem>>)
        tpu.yield
      }) : () -> ()
      %eq3A_21 = arith.constant 1 : i32
      %eq3A_22 = arith.cmpi eq, %arg0, %eq3A_21 : i32
      %convert_element_type3A_23 = arith.extui %eq3A_22 : i1 to i32
      %cond3A_24 = arith.constant 0 : i32
      %cond3A_25 = arith.cmpi ne, %convert_element_type3A_23, %cond3A_24 : i32
      scf.if %cond3A_25 {
        %scan3A_84 = arith.constant 0 : i32
        %scan3A_85 = arith.constant 0 : i32
        %scan3A_86 = arith.constant 32 : i32
        %scan3A_87 = arith.addi %scan3A_85, %scan3A_86 : i32
        %scan3A_88 = arith.constant 1 : i32
        scf.for %scan3A_90 = %scan3A_85 to %scan3A_87 step %scan3A_88  : i32 {
          %dma_start3A_91 = arith.constant 0 : i32
          %dma_start3A_92 = tpu.memref_slice %arg11[%scan3A_90, %dma_start3A_91] : memref<32x64xi32, #tpu.memory_space<vmem>> -> memref<1x64xi32, #tpu.memory_space<vmem>>
          %dma_start3A_93 = tpu.memref_squeeze %dma_start3A_92 : memref<1x64xi32, #tpu.memory_space<vmem>> -> memref<64xi32, #tpu.memory_space<vmem>>
          %dma_start3A_94 = arith.constant 0 : i32
          %dma_start3A_95 = tpu.memref_slice %arg17[%dma_start3A_94] : memref<10240xf32, #tpu.memory_space<vmem_shared>> -> memref<10240xf32, #tpu.memory_space<vmem_shared>>
          tpu.enqueue_indirect_dma source(%arg16 : memref<64xf32, #tpu.memory_space<vmem>>) target(%dma_start3A_95 : memref<10240xf32, #tpu.memory_space<vmem_shared>>) offsets(%dma_start3A_93 : memref<64xi32, #tpu.memory_space<vmem>>) semaphore(%arg18 : memref<!tpu.dma_semaphore, #tpu.memory_space<semaphore_mem>>) {add = true}
        }
        %scan3A_89 = arith.constant 32 : i32
      } else {
      }
      %dma_start3A = arith.constant 0 : i32
      %dma_start3A_26 = arith.constant 0 : i32
      %dma_start3A_27 = arith.constant 0 : i32
      %dma_start3A_28 = arith.constant 0 : i32
      %dma_start3A_29 = tpu.memref_slice %arg12[%dma_start3A_26, %dma_start3A_27, %dma_start3A_28] : memref<4x64x128xf32, #tpu.memory_space<vmem>> -> memref<1x64x128xf32, #tpu.memory_space<vmem>>
      %dma_start3A_30 = tpu.memref_squeeze %dma_start3A_29 : memref<1x64x128xf32, #tpu.memory_space<vmem>> -> memref<64x128xf32, #tpu.memory_space<vmem>>
      %dma_start3A_31 = arith.constant 0 : i32
      %dma_start3A_32 = tpu.memref_slice %arg10[%dma_start3A, %dma_start3A_31] : memref<32x64xi32, #tpu.memory_space<vmem>> -> memref<1x64xi32, #tpu.memory_space<vmem>>
      %dma_start3A_33 = tpu.memref_squeeze %dma_start3A_32 : memref<1x64xi32, #tpu.memory_space<vmem>> -> memref<64xi32, #tpu.memory_space<vmem>>
      %dma_start3A_34 = arith.constant 0 : i32
      %dma_start3A_35 = arith.constant 0 : i32
      %dma_start3A_36 = tpu.memref_slice %arg2[%dma_start3A_34, %dma_start3A_35] : memref<20480x128xf32, #tpu.memory_space<hbm>> -> memref<20480x128xf32, #tpu.memory_space<hbm>>
      tpu.enqueue_indirect_dma source(%dma_start3A_36 : memref<20480x128xf32, #tpu.memory_space<hbm>>) target(%dma_start3A_30 : memref<64x128xf32, #tpu.memory_space<vmem>>) offsets(%dma_start3A_33 : memref<64xi32, #tpu.memory_space<vmem>>) semaphore(%arg14 : memref<!tpu.dma_semaphore, #tpu.memory_space<semaphore_mem>>)
      %dma_start3A_37 = arith.constant 1 : i32
      %dma_start3A_38 = arith.constant 1 : i32
      %dma_start3A_39 = arith.constant 0 : i32
      %dma_start3A_40 = arith.constant 0 : i32
      %dma_start3A_41 = tpu.memref_slice %arg12[%dma_start3A_38, %dma_start3A_39, %dma_start3A_40] : memref<4x64x128xf32, #tpu.memory_space<vmem>> -> memref<1x64x128xf32, #tpu.memory_space<vmem>>
      %dma_start3A_42 = tpu.memref_squeeze %dma_start3A_41 : memref<1x64x128xf32, #tpu.memory_space<vmem>> -> memref<64x128xf32, #tpu.memory_space<vmem>>
      %dma_start3A_43 = arith.constant 0 : i32
      %dma_start3A_44 = tpu.memref_slice %arg10[%dma_start3A_37, %dma_start3A_43] : memref<32x64xi32, #tpu.memory_space<vmem>> -> memref<1x64xi32, #tpu.memory_space<vmem>>
      %dma_start3A_45 = tpu.memref_squeeze %dma_start3A_44 : memref<1x64xi32, #tpu.memory_space<vmem>> -> memref<64xi32, #tpu.memory_space<vmem>>
      %dma_start3A_46 = arith.constant 0 : i32
      %dma_start3A_47 = arith.constant 0 : i32
      %dma_start3A_48 = tpu.memref_slice %arg2[%dma_start3A_46, %dma_start3A_47] : memref<20480x128xf32, #tpu.memory_space<hbm>> -> memref<20480x128xf32, #tpu.memory_space<hbm>>
      tpu.enqueue_indirect_dma source(%dma_start3A_48 : memref<20480x128xf32, #tpu.memory_space<hbm>>) target(%dma_start3A_42 : memref<64x128xf32, #tpu.memory_space<vmem>>) offsets(%dma_start3A_45 : memref<64xi32, #tpu.memory_space<vmem>>) semaphore(%arg14 : memref<!tpu.dma_semaphore, #tpu.memory_space<semaphore_mem>>)
      %dma_start3A_49 = arith.constant 2 : i32
      %dma_start3A_50 = arith.constant 2 : i32
      %dma_start3A_51 = arith.constant 0 : i32
      %dma_start3A_52 = arith.constant 0 : i32
      %dma_start3A_53 = tpu.memref_slice %arg12[%dma_start3A_50, %dma_start3A_51, %dma_start3A_52] : memref<4x64x128xf32, #tpu.memory_space<vmem>> -> memref<1x64x128xf32, #tpu.memory_space<vmem>>
      %dma_start3A_54 = tpu.memref_squeeze %dma_start3A_53 : memref<1x64x128xf32, #tpu.memory_space<vmem>> -> memref<64x128xf32, #tpu.memory_space<vmem>>
      %dma_start3A_55 = arith.constant 0 : i32
      %dma_start3A_56 = tpu.memref_slice %arg10[%dma_start3A_49, %dma_start3A_55] : memref<32x64xi32, #tpu.memory_space<vmem>> -> memref<1x64xi32, #tpu.memory_space<vmem>>
      %dma_start3A_57 = tpu.memref_squeeze %dma_start3A_56 : memref<1x64xi32, #tpu.memory_space<vmem>> -> memref<64xi32, #tpu.memory_space<vmem>>
      %dma_start3A_58 = arith.constant 0 : i32
      %dma_start3A_59 = arith.constant 0 : i32
      %dma_start3A_60 = tpu.memref_slice %arg2[%dma_start3A_58, %dma_start3A_59] : memref<20480x128xf32, #tpu.memory_space<hbm>> -> memref<20480x128xf32, #tpu.memory_space<hbm>>
      tpu.enqueue_indirect_dma source(%dma_start3A_60 : memref<20480x128xf32, #tpu.memory_space<hbm>>) target(%dma_start3A_54 : memref<64x128xf32, #tpu.memory_space<vmem>>) offsets(%dma_start3A_57 : memref<64xi32, #tpu.memory_space<vmem>>) semaphore(%arg14 : memref<!tpu.dma_semaphore, #tpu.memory_space<semaphore_mem>>)
      %dma_start3A_61 = arith.constant 3 : i32
      %dma_start3A_62 = arith.constant 3 : i32
      %dma_start3A_63 = arith.constant 0 : i32
      %dma_start3A_64 = arith.constant 0 : i32
      %dma_start3A_65 = tpu.memref_slice %arg12[%dma_start3A_62, %dma_start3A_63, %dma_start3A_64] : memref<4x64x128xf32, #tpu.memory_space<vmem>> -> memref<1x64x128xf32, #tpu.memory_space<vmem>>
      %dma_start3A_66 = tpu.memref_squeeze %dma_start3A_65 : memref<1x64x128xf32, #tpu.memory_space<vmem>> -> memref<64x128xf32, #tpu.memory_space<vmem>>
      %dma_start3A_67 = arith.constant 0 : i32
      %dma_start3A_68 = tpu.memref_slice %arg10[%dma_start3A_61, %dma_start3A_67] : memref<32x64xi32, #tpu.memory_space<vmem>> -> memref<1x64xi32, #tpu.memory_space<vmem>>
      %dma_start3A_69 = tpu.memref_squeeze %dma_start3A_68 : memref<1x64xi32, #tpu.memory_space<vmem>> -> memref<64xi32, #tpu.memory_space<vmem>>
      %dma_start3A_70 = arith.constant 0 : i32
      %dma_start3A_71 = arith.constant 0 : i32
      %dma_start3A_72 = tpu.memref_slice %arg2[%dma_start3A_70, %dma_start3A_71] : memref<20480x128xf32, #tpu.memory_space<hbm>> -> memref<20480x128xf32, #tpu.memory_space<hbm>>
      tpu.enqueue_indirect_dma source(%dma_start3A_72 : memref<20480x128xf32, #tpu.memory_space<hbm>>) target(%dma_start3A_66 : memref<64x128xf32, #tpu.memory_space<vmem>>) offsets(%dma_start3A_69 : memref<64xi32, #tpu.memory_space<vmem>>) semaphore(%arg14 : memref<!tpu.dma_semaphore, #tpu.memory_space<semaphore_mem>>)
      %scan3A_73 = arith.constant 0 : i32
      %scan3A_74 = arith.constant 0 : i32
      %scan3A_75 = arith.constant 32 : i32
      %scan3A_76 = arith.addi %scan3A_74, %scan3A_75 : i32
      %scan3A_77 = arith.constant 1 : i32
      scf.for %scan3A_84 = %scan3A_74 to %scan3A_76 step %scan3A_77  : i32 {
        %and3A = arith.constant 3 : i32
        %and3A_85 = arith.andi %scan3A_84, %and3A : i32
        %dma_wait3A = arith.constant 0 : i32
        %dma_wait3A_86 = arith.constant 0 : i32
        %dma_wait3A_87 = tpu.memref_slice %arg12[%and3A_85, %dma_wait3A, %dma_wait3A_86] : memref<4x64x128xf32, #tpu.memory_space<vmem>> -> memref<1x64x128xf32, #tpu.memory_space<vmem>>
        %dma_wait3A_88 = tpu.memref_squeeze %dma_wait3A_87 : memref<1x64x128xf32, #tpu.memory_space<vmem>> -> memref<64x128xf32, #tpu.memory_space<vmem>>
        %dma_wait3A_89 = arith.constant 0 : i32
        %dma_wait3A_90 = tpu.memref_slice %arg10[%scan3A_84, %dma_wait3A_89] : memref<32x64xi32, #tpu.memory_space<vmem>> -> memref<1x64xi32, #tpu.memory_space<vmem>>
        %dma_wait3A_91 = tpu.memref_squeeze %dma_wait3A_90 : memref<1x64xi32, #tpu.memory_space<vmem>> -> memref<64xi32, #tpu.memory_space<vmem>>
        %dma_wait3A_92 = arith.constant 0 : i32
        %dma_wait3A_93 = arith.constant 0 : i32
        %dma_wait3A_94 = tpu.memref_slice %arg2[%dma_wait3A_92, %dma_wait3A_93] : memref<20480x128xf32, #tpu.memory_space<hbm>> -> memref<20480x128xf32, #tpu.memory_space<hbm>>
        tpu.wait_indirect_dma semaphore(%arg14 : memref<!tpu.dma_semaphore, #tpu.memory_space<semaphore_mem>>) src(%dma_wait3A_94 : memref<20480x128xf32, #tpu.memory_space<hbm>>) dst(%dma_wait3A_88 : memref<64x128xf32, #tpu.memory_space<vmem>>)
        "tpu.region"() ({
          %run_scoped3A = tpu.sem_alloc : memref<!tpu.dma_semaphore, #tpu.memory_space<semaphore_mem>>
          %dma_start3A_101 = arith.constant 0 : i32
          %dma_start3A_102 = arith.constant 0 : i32
          %dma_start3A_103 = tpu.memref_slice %arg12[%and3A_85, %dma_start3A_101, %dma_start3A_102] : memref<4x64x128xf32, #tpu.memory_space<vmem>> -> memref<1x64x128xf32, #tpu.memory_space<vmem>>
          %dma_start3A_104 = tpu.memref_squeeze %dma_start3A_103 : memref<1x64x128xf32, #tpu.memory_space<vmem>> -> memref<64x128xf32, #tpu.memory_space<vmem>>
          %dma_start3A_105 = arith.constant 0 : i32
          %dma_start3A_106 = tpu.memref_slice %arg11[%scan3A_84, %dma_start3A_105] : memref<32x64xi32, #tpu.memory_space<vmem>> -> memref<1x64xi32, #tpu.memory_space<vmem>>
          %dma_start3A_107 = tpu.memref_squeeze %dma_start3A_106 : memref<1x64xi32, #tpu.memory_space<vmem>> -> memref<64xi32, #tpu.memory_space<vmem>>
          %dma_start3A_108 = arith.constant 0 : i32
          %dma_start3A_109 = arith.constant 0 : i32
          %dma_start3A_110 = tpu.memref_slice %arg13[%dma_start3A_108, %dma_start3A_109] : memref<10240x128xf32, #tpu.memory_space<vmem_shared>> -> memref<10240x128xf32, #tpu.memory_space<vmem_shared>>
          tpu.enqueue_indirect_dma source(%dma_start3A_104 : memref<64x128xf32, #tpu.memory_space<vmem>>) target(%dma_start3A_110 : memref<10240x128xf32, #tpu.memory_space<vmem_shared>>) offsets(%dma_start3A_107 : memref<64xi32, #tpu.memory_space<vmem>>) semaphore(%run_scoped3A : memref<!tpu.dma_semaphore, #tpu.memory_space<semaphore_mem>>) {add = true}
          %dma_wait3A_111 = arith.constant 0 : i32
          %dma_wait3A_112 = arith.constant 0 : i32
          %dma_wait3A_113 = tpu.memref_slice %arg12[%and3A_85, %dma_wait3A_111, %dma_wait3A_112] : memref<4x64x128xf32, #tpu.memory_space<vmem>> -> memref<1x64x128xf32, #tpu.memory_space<vmem>>
          %dma_wait3A_114 = tpu.memref_squeeze %dma_wait3A_113 : memref<1x64x128xf32, #tpu.memory_space<vmem>> -> memref<64x128xf32, #tpu.memory_space<vmem>>
          %dma_wait3A_115 = arith.constant 0 : i32
          %dma_wait3A_116 = tpu.memref_slice %arg11[%scan3A_84, %dma_wait3A_115] : memref<32x64xi32, #tpu.memory_space<vmem>> -> memref<1x64xi32, #tpu.memory_space<vmem>>
          %dma_wait3A_117 = tpu.memref_squeeze %dma_wait3A_116 : memref<1x64xi32, #tpu.memory_space<vmem>> -> memref<64xi32, #tpu.memory_space<vmem>>
          %dma_wait3A_118 = arith.constant 0 : i32
          %dma_wait3A_119 = arith.constant 0 : i32
          %dma_wait3A_120 = tpu.memref_slice %arg13[%dma_wait3A_118, %dma_wait3A_119] : memref<10240x128xf32, #tpu.memory_space<vmem_shared>> -> memref<10240x128xf32, #tpu.memory_space<vmem_shared>>
          tpu.wait_indirect_dma semaphore(%run_scoped3A : memref<!tpu.dma_semaphore, #tpu.memory_space<semaphore_mem>>) src(%dma_wait3A_114 : memref<64x128xf32, #tpu.memory_space<vmem>>) dst(%dma_wait3A_120 : memref<10240x128xf32, #tpu.memory_space<vmem_shared>>)
          tpu.yield
        }) : () -> ()
        %add3A_95 = arith.constant 4 : i32
        %add3A_96 = arith.addi %scan3A_84, %add3A_95 : i32
        %lt3A = arith.constant 32 : i32
        %lt3A_97 = arith.cmpi slt, %add3A_96, %lt3A : i32
        %convert_element_type3A_98 = arith.extui %lt3A_97 : i1 to i32
        %cond3A_99 = arith.constant 0 : i32
        %cond3A_100 = arith.cmpi ne, %convert_element_type3A_98, %cond3A_99 : i32
        scf.if %cond3A_100 {
          %add3A_101 = arith.constant 4 : i32
          %add3A_102 = arith.addi %scan3A_84, %add3A_101 : i32
          %dma_start3A_103 = arith.constant 0 : i32
          %dma_start3A_104 = arith.constant 0 : i32
          %dma_start3A_105 = tpu.memref_slice %arg12[%and3A_85, %dma_start3A_103, %dma_start3A_104] : memref<4x64x128xf32, #tpu.memory_space<vmem>> -> memref<1x64x128xf32, #tpu.memory_space<vmem>>
          %dma_start3A_106 = tpu.memref_squeeze %dma_start3A_105 : memref<1x64x128xf32, #tpu.memory_space<vmem>> -> memref<64x128xf32, #tpu.memory_space<vmem>>
          %dma_start3A_107 = arith.constant 0 : i32
          %dma_start3A_108 = tpu.memref_slice %arg10[%add3A_102, %dma_start3A_107] : memref<32x64xi32, #tpu.memory_space<vmem>> -> memref<1x64xi32, #tpu.memory_space<vmem>>
          %dma_start3A_109 = tpu.memref_squeeze %dma_start3A_108 : memref<1x64xi32, #tpu.memory_space<vmem>> -> memref<64xi32, #tpu.memory_space<vmem>>
          %dma_start3A_110 = arith.constant 0 : i32
          %dma_start3A_111 = arith.constant 0 : i32
          %dma_start3A_112 = tpu.memref_slice %arg2[%dma_start3A_110, %dma_start3A_111] : memref<20480x128xf32, #tpu.memory_space<hbm>> -> memref<20480x128xf32, #tpu.memory_space<hbm>>
          tpu.enqueue_indirect_dma source(%dma_start3A_112 : memref<20480x128xf32, #tpu.memory_space<hbm>>) target(%dma_start3A_106 : memref<64x128xf32, #tpu.memory_space<vmem>>) offsets(%dma_start3A_109 : memref<64xi32, #tpu.memory_space<vmem>>) semaphore(%arg14 : memref<!tpu.dma_semaphore, #tpu.memory_space<semaphore_mem>>)
        } else {
        }
      }
      %scan3A_78 = arith.constant 32 : i32
      %eq3A_79 = arith.constant 1 : i32
      %eq3A_80 = arith.cmpi eq, %arg0, %eq3A_79 : i32
      %convert_element_type3A_81 = arith.extui %eq3A_80 : i1 to i32
      %cond3A_82 = arith.constant 0 : i32
      %cond3A_83 = arith.cmpi ne, %convert_element_type3A_81, %cond3A_82 : i32
      scf.if %cond3A_83 {
        %scan3A_84 = arith.constant 0 : i32
        %scan3A_85 = arith.constant 0 : i32
        %scan3A_86 = arith.constant 32 : i32
        %scan3A_87 = arith.addi %scan3A_85, %scan3A_86 : i32
        %scan3A_88 = arith.constant 1 : i32
        scf.for %scan3A_90 = %scan3A_85 to %scan3A_87 step %scan3A_88  : i32 {
          %dma_wait3A = arith.constant 0 : i32
          %dma_wait3A_91 = tpu.memref_slice %arg11[%scan3A_90, %dma_wait3A] : memref<32x64xi32, #tpu.memory_space<vmem>> -> memref<1x64xi32, #tpu.memory_space<vmem>>
          %dma_wait3A_92 = tpu.memref_squeeze %dma_wait3A_91 : memref<1x64xi32, #tpu.memory_space<vmem>> -> memref<64xi32, #tpu.memory_space<vmem>>
          %dma_wait3A_93 = arith.constant 0 : i32
          %dma_wait3A_94 = tpu.memref_slice %arg17[%dma_wait3A_93] : memref<10240xf32, #tpu.memory_space<vmem_shared>> -> memref<10240xf32, #tpu.memory_space<vmem_shared>>
          tpu.wait_indirect_dma semaphore(%arg18 : memref<!tpu.dma_semaphore, #tpu.memory_space<semaphore_mem>>) src(%arg16 : memref<64xf32, #tpu.memory_space<vmem>>) dst(%dma_wait3A_94 : memref<10240xf32, #tpu.memory_space<vmem_shared>>)
        }
        %scan3A_89 = arith.constant 32 : i32
      } else {
      }
    }
    %scan3A_7 = arith.constant 10 : i32
    %barrier3A_8 = arith.constant 0 : index
    tpu.barrier barrier_id(%barrier3A_8)
    %mul3A_9 = arith.constant 640 : i32
    %mul3A_10 = arith.muli %arg1, %mul3A_9 : i32
    %mul3A_11 = arith.constant 10240 : i32
    %mul3A_12 = arith.muli %arg0, %mul3A_11 : i32
    %mul3A_13 = arith.constant 640 : i32
    %mul3A_14 = arith.muli %arg1, %mul3A_13 : i32
    %add3A = arith.addi %mul3A_12, %mul3A_14 : i32
    "tpu.region"() ({
      %run_scoped3A = tpu.sem_alloc : memref<!tpu.dma_semaphore, #tpu.memory_space<semaphore_mem>>
      %dma_start3A = arith.constant 0 : i32
      %dma_start3A_20 = tpu.memref_slice %arg8[%add3A, %dma_start3A] : memref<20480x128xf32, #tpu.memory_space<hbm>> -> memref<640x128xf32, #tpu.memory_space<hbm>>
      %dma_start3A_21 = arith.constant 0 : i32
      %dma_start3A_22 = tpu.memref_slice %arg13[%mul3A_10, %dma_start3A_21] : memref<10240x128xf32, #tpu.memory_space<vmem_shared>> -> memref<640x128xf32, #tpu.memory_space<vmem_shared>>
      tpu.enqueue_dma source(%dma_start3A_22 : memref<640x128xf32, #tpu.memory_space<vmem_shared>>) target(%dma_start3A_20 : memref<640x128xf32, #tpu.memory_space<hbm>>) target_semaphore(%run_scoped3A : memref<!tpu.dma_semaphore, #tpu.memory_space<semaphore_mem>>)
      %dma_wait3A = arith.constant 0 : i32
      %dma_wait3A_23 = tpu.memref_slice %arg8[%add3A, %dma_wait3A] : memref<20480x128xf32, #tpu.memory_space<hbm>> -> memref<640x128xf32, #tpu.memory_space<hbm>>
      %dma_wait3A_24 = arith.constant 0 : i32
      %dma_wait3A_25 = tpu.memref_slice %arg13[%mul3A_10, %dma_wait3A_24] : memref<10240x128xf32, #tpu.memory_space<vmem_shared>> -> memref<640x128xf32, #tpu.memory_space<vmem_shared>>
      tpu.wait_dma2 semaphore(%run_scoped3A : memref<!tpu.dma_semaphore, #tpu.memory_space<semaphore_mem>>) src(%dma_wait3A_25 : memref<640x128xf32, #tpu.memory_space<vmem_shared>>) dst(%dma_wait3A_23 : memref<640x128xf32, #tpu.memory_space<hbm>>)
      tpu.yield
    }) : () -> ()
    %eq3A_15 = arith.constant 1 : i32
    %eq3A_16 = arith.cmpi eq, %arg0, %eq3A_15 : i32
    %convert_element_type3A_17 = arith.extui %eq3A_16 : i1 to i32
    %cond3A_18 = arith.constant 0 : i32
    %cond3A_19 = arith.cmpi ne, %convert_element_type3A_17, %cond3A_18 : i32
    scf.if %cond3A_19 {
      %mul3A_20 = arith.constant 640 : i32
      %mul3A_21 = arith.muli %arg1, %mul3A_20 : i32
      %mul3A_22 = arith.constant 640 : i32
      %mul3A_23 = arith.muli %arg1, %mul3A_22 : i32
      "tpu.region"() ({
        %run_scoped3A = tpu.sem_alloc : memref<!tpu.dma_semaphore, #tpu.memory_space<semaphore_mem>>
        %dma_start3A = tpu.memref_slice %arg9[%mul3A_23] : memref<10240xf32, #tpu.memory_space<hbm>> -> memref<640xf32, #tpu.memory_space<hbm>>
        %dma_start3A_24 = tpu.memref_slice %arg17[%mul3A_21] : memref<10240xf32, #tpu.memory_space<vmem_shared>> -> memref<640xf32, #tpu.memory_space<vmem_shared>>
        tpu.enqueue_dma source(%dma_start3A_24 : memref<640xf32, #tpu.memory_space<vmem_shared>>) target(%dma_start3A : memref<640xf32, #tpu.memory_space<hbm>>) target_semaphore(%run_scoped3A : memref<!tpu.dma_semaphore, #tpu.memory_space<semaphore_mem>>)
        %dma_wait3A = tpu.memref_slice %arg9[%mul3A_23] : memref<10240xf32, #tpu.memory_space<hbm>> -> memref<640xf32, #tpu.memory_space<hbm>>
        %dma_wait3A_25 = tpu.memref_slice %arg17[%mul3A_21] : memref<10240xf32, #tpu.memory_space<vmem_shared>> -> memref<640xf32, #tpu.memory_space<vmem_shared>>
        tpu.wait_dma2 semaphore(%run_scoped3A : memref<!tpu.dma_semaphore, #tpu.memory_space<semaphore_mem>>) src(%dma_wait3A_25 : memref<640xf32, #tpu.memory_space<vmem_shared>>) dst(%dma_wait3A : memref<640xf32, #tpu.memory_space<hbm>>)
        tpu.yield
      }) : () -> ()
    } else {
    }
    return
  }
}

#map = affine_map<(d0, d1) -> (0, 0)>
#map1 = affine_map<(d0, d1) -> (0, 0, 0, 0, 0)>
#map2 = affine_map<(d0, d1) -> (0, 0, 0, 0)>
module attributes {stable_mosaic.version = 14 : i64} {
  func.func @body(%arg0: i32, %arg1: i32, %arg2: memref<20480x128xf32, #tpu.memory_space<hbm>>, %arg3: memref<2x16x10x32x64xi32, #tpu.memory_space<hbm>>, %arg4: memref<16x10x32x64xi32, #tpu.memory_space<hbm>>, %arg5: memref<640x128xf32, #tpu.memory_space<hbm>>, %arg6: memref<20480x128xf32, #tpu.memory_space<hbm>>, %arg7: memref<32x64xi32, #tpu.memory_space<vmem>>, %arg8: memref<32x64xi32, #tpu.memory_space<vmem>>, %arg9: memref<4x64x128xf32, #tpu.memory_space<vmem>>, %arg10: memref<10240x128xf32, #tpu.memory_space<vmem_shared>>, %arg11: memref<!tpu.dma_semaphore, #tpu.memory_space<semaphore_mem>>, %arg12: memref<!tpu.dma_semaphore, #tpu.memory_space<semaphore_mem>>) attributes {dimension_semantics = [#tpu.dimension_semantics<core_parallel>, #tpu.dimension_semantics<subcore_parallel>], iteration_bounds = array<i64: 2, 16>, scalar_prefetch = 0 : i64, scratch_operands = 6 : i64, tpu.core_type = #tpu.core_type<sc_vector_subcore>, window_params = [{transform_indices = #map}, {transform_indices = #map1}, {transform_indices = #map2}, {transform_indices = #map}, {transform_indices = #map}]} {
    %mul3A = arith.constant 640 : i32
    %mul3A_0 = arith.muli %arg1, %mul3A : i32
    "tpu.region"() ({
      %run_scoped3A = tpu.sem_alloc : memref<!tpu.dma_semaphore, #tpu.memory_space<semaphore_mem>>
      %dma_start3A = arith.constant 0 : i32
      %dma_start3A_13 = tpu.memref_slice %arg10[%mul3A_0, %dma_start3A] : memref<10240x128xf32, #tpu.memory_space<vmem_shared>> -> memref<640x128xf32, #tpu.memory_space<vmem_shared>>
      tpu.enqueue_dma source(%arg5 : memref<640x128xf32, #tpu.memory_space<hbm>>) target(%dma_start3A_13 : memref<640x128xf32, #tpu.memory_space<vmem_shared>>) target_semaphore(%run_scoped3A : memref<!tpu.dma_semaphore, #tpu.memory_space<semaphore_mem>>)
      %dma_wait3A = arith.constant 0 : i32
      %dma_wait3A_14 = tpu.memref_slice %arg10[%mul3A_0, %dma_wait3A] : memref<10240x128xf32, #tpu.memory_space<vmem_shared>> -> memref<640x128xf32, #tpu.memory_space<vmem_shared>>
      tpu.wait_dma2 semaphore(%run_scoped3A : memref<!tpu.dma_semaphore, #tpu.memory_space<semaphore_mem>>) src(%arg5 : memref<640x128xf32, #tpu.memory_space<hbm>>) dst(%dma_wait3A_14 : memref<640x128xf32, #tpu.memory_space<vmem_shared>>)
      tpu.yield
    }) : () -> ()
    %barrier3A = arith.constant 0 : index
    tpu.barrier barrier_id(%barrier3A)
    %scan3A = arith.constant 0 : i32
    %scan3A_1 = arith.constant 0 : i32
    %scan3A_2 = arith.constant 10 : i32
    %scan3A_3 = arith.addi %scan3A_1, %scan3A_2 : i32
    %scan3A_4 = arith.constant 1 : i32
    scf.for %scan3A_13 = %scan3A_1 to %scan3A_3 step %scan3A_4  : i32 {
      "tpu.region"() ({
        %run_scoped3A = tpu.sem_alloc : memref<!tpu.dma_semaphore, #tpu.memory_space<semaphore_mem>>
        %dma_start3A_67 = arith.constant 0 : i32
        %dma_start3A_68 = arith.constant 0 : i32
        %dma_start3A_69 = arith.constant 0 : i32
        %dma_start3A_70 = arith.constant 0 : i32
        %dma_start3A_71 = tpu.memref_slice %arg3[%arg0, %dma_start3A_67, %dma_start3A_68, %dma_start3A_69, %dma_start3A_70] : memref<2x16x10x32x64xi32, #tpu.memory_space<hbm>> -> memref<1x16x10x32x64xi32, #tpu.memory_space<hbm>>
        %dma_start3A_72 = tpu.memref_squeeze %dma_start3A_71 : memref<1x16x10x32x64xi32, #tpu.memory_space<hbm>> -> memref<16x10x32x64xi32, #tpu.memory_space<hbm>>
        %dma_start3A_73 = arith.constant 0 : i32
        %dma_start3A_74 = arith.constant 0 : i32
        %dma_start3A_75 = arith.constant 0 : i32
        %dma_start3A_76 = tpu.memref_slice %dma_start3A_72[%arg1, %dma_start3A_73, %dma_start3A_74, %dma_start3A_75] : memref<16x10x32x64xi32, #tpu.memory_space<hbm>> -> memref<1x10x32x64xi32, #tpu.memory_space<hbm>>
        %dma_start3A_77 = tpu.memref_squeeze %dma_start3A_76 : memref<1x10x32x64xi32, #tpu.memory_space<hbm>> -> memref<10x32x64xi32, #tpu.memory_space<hbm>>
        %dma_start3A_78 = arith.constant 0 : i32
        %dma_start3A_79 = arith.constant 0 : i32
        %dma_start3A_80 = tpu.memref_slice %dma_start3A_77[%scan3A_13, %dma_start3A_78, %dma_start3A_79] : memref<10x32x64xi32, #tpu.memory_space<hbm>> -> memref<1x32x64xi32, #tpu.memory_space<hbm>>
        %dma_start3A_81 = tpu.memref_squeeze %dma_start3A_80 : memref<1x32x64xi32, #tpu.memory_space<hbm>> -> memref<32x64xi32, #tpu.memory_space<hbm>>
        %dma_start3A_82 = arith.constant 0 : i32
        %dma_start3A_83 = arith.constant 0 : i32
        %dma_start3A_84 = arith.constant 0 : i32
        %dma_start3A_85 = arith.constant 0 : i32
        %dma_start3A_86 = tpu.memref_slice %arg3[%arg0, %dma_start3A_82, %dma_start3A_83, %dma_start3A_84, %dma_start3A_85] : memref<2x16x10x32x64xi32, #tpu.memory_space<hbm>> -> memref<1x16x10x32x64xi32, #tpu.memory_space<hbm>>
        %dma_start3A_87 = tpu.memref_squeeze %dma_start3A_86 : memref<1x16x10x32x64xi32, #tpu.memory_space<hbm>> -> memref<16x10x32x64xi32, #tpu.memory_space<hbm>>
        %dma_start3A_88 = arith.constant 0 : i32
        %dma_start3A_89 = arith.constant 0 : i32
        %dma_start3A_90 = arith.constant 0 : i32
        %dma_start3A_91 = tpu.memref_slice %dma_start3A_87[%arg1, %dma_start3A_88, %dma_start3A_89, %dma_start3A_90] : memref<16x10x32x64xi32, #tpu.memory_space<hbm>> -> memref<1x10x32x64xi32, #tpu.memory_space<hbm>>
        %dma_start3A_92 = tpu.memref_squeeze %dma_start3A_91 : memref<1x10x32x64xi32, #tpu.memory_space<hbm>> -> memref<10x32x64xi32, #tpu.memory_space<hbm>>
        %dma_start3A_93 = arith.constant 0 : i32
        %dma_start3A_94 = arith.constant 0 : i32
        %dma_start3A_95 = tpu.memref_slice %dma_start3A_92[%scan3A_13, %dma_start3A_93, %dma_start3A_94] : memref<10x32x64xi32, #tpu.memory_space<hbm>> -> memref<1x32x64xi32, #tpu.memory_space<hbm>>
        %dma_start3A_96 = tpu.memref_squeeze %dma_start3A_95 : memref<1x32x64xi32, #tpu.memory_space<hbm>> -> memref<32x64xi32, #tpu.memory_space<hbm>>
        tpu.enqueue_dma source(%dma_start3A_96 : memref<32x64xi32, #tpu.memory_space<hbm>>) target(%arg7 : memref<32x64xi32, #tpu.memory_space<vmem>>) target_semaphore(%run_scoped3A : memref<!tpu.dma_semaphore, #tpu.memory_space<semaphore_mem>>)
        %dma_wait3A = arith.constant 0 : i32
        %dma_wait3A_97 = arith.constant 0 : i32
        %dma_wait3A_98 = arith.constant 0 : i32
        %dma_wait3A_99 = arith.constant 0 : i32
        %dma_wait3A_100 = tpu.memref_slice %arg3[%arg0, %dma_wait3A, %dma_wait3A_97, %dma_wait3A_98, %dma_wait3A_99] : memref<2x16x10x32x64xi32, #tpu.memory_space<hbm>> -> memref<1x16x10x32x64xi32, #tpu.memory_space<hbm>>
        %dma_wait3A_101 = tpu.memref_squeeze %dma_wait3A_100 : memref<1x16x10x32x64xi32, #tpu.memory_space<hbm>> -> memref<16x10x32x64xi32, #tpu.memory_space<hbm>>
        %dma_wait3A_102 = arith.constant 0 : i32
        %dma_wait3A_103 = arith.constant 0 : i32
        %dma_wait3A_104 = arith.constant 0 : i32
        %dma_wait3A_105 = tpu.memref_slice %dma_wait3A_101[%arg1, %dma_wait3A_102, %dma_wait3A_103, %dma_wait3A_104] : memref<16x10x32x64xi32, #tpu.memory_space<hbm>> -> memref<1x10x32x64xi32, #tpu.memory_space<hbm>>
        %dma_wait3A_106 = tpu.memref_squeeze %dma_wait3A_105 : memref<1x10x32x64xi32, #tpu.memory_space<hbm>> -> memref<10x32x64xi32, #tpu.memory_space<hbm>>
        %dma_wait3A_107 = arith.constant 0 : i32
        %dma_wait3A_108 = arith.constant 0 : i32
        %dma_wait3A_109 = tpu.memref_slice %dma_wait3A_106[%scan3A_13, %dma_wait3A_107, %dma_wait3A_108] : memref<10x32x64xi32, #tpu.memory_space<hbm>> -> memref<1x32x64xi32, #tpu.memory_space<hbm>>
        %dma_wait3A_110 = tpu.memref_squeeze %dma_wait3A_109 : memref<1x32x64xi32, #tpu.memory_space<hbm>> -> memref<32x64xi32, #tpu.memory_space<hbm>>
        %dma_wait3A_111 = arith.constant 0 : i32
        %dma_wait3A_112 = arith.constant 0 : i32
        %dma_wait3A_113 = arith.constant 0 : i32
        %dma_wait3A_114 = arith.constant 0 : i32
        %dma_wait3A_115 = tpu.memref_slice %arg3[%arg0, %dma_wait3A_111, %dma_wait3A_112, %dma_wait3A_113, %dma_wait3A_114] : memref<2x16x10x32x64xi32, #tpu.memory_space<hbm>> -> memref<1x16x10x32x64xi32, #tpu.memory_space<hbm>>
        %dma_wait3A_116 = tpu.memref_squeeze %dma_wait3A_115 : memref<1x16x10x32x64xi32, #tpu.memory_space<hbm>> -> memref<16x10x32x64xi32, #tpu.memory_space<hbm>>
        %dma_wait3A_117 = arith.constant 0 : i32
        %dma_wait3A_118 = arith.constant 0 : i32
        %dma_wait3A_119 = arith.constant 0 : i32
        %dma_wait3A_120 = tpu.memref_slice %dma_wait3A_116[%arg1, %dma_wait3A_117, %dma_wait3A_118, %dma_wait3A_119] : memref<16x10x32x64xi32, #tpu.memory_space<hbm>> -> memref<1x10x32x64xi32, #tpu.memory_space<hbm>>
        %dma_wait3A_121 = tpu.memref_squeeze %dma_wait3A_120 : memref<1x10x32x64xi32, #tpu.memory_space<hbm>> -> memref<10x32x64xi32, #tpu.memory_space<hbm>>
        %dma_wait3A_122 = arith.constant 0 : i32
        %dma_wait3A_123 = arith.constant 0 : i32
        %dma_wait3A_124 = tpu.memref_slice %dma_wait3A_121[%scan3A_13, %dma_wait3A_122, %dma_wait3A_123] : memref<10x32x64xi32, #tpu.memory_space<hbm>> -> memref<1x32x64xi32, #tpu.memory_space<hbm>>
        %dma_wait3A_125 = tpu.memref_squeeze %dma_wait3A_124 : memref<1x32x64xi32, #tpu.memory_space<hbm>> -> memref<32x64xi32, #tpu.memory_space<hbm>>
        tpu.wait_dma2 semaphore(%run_scoped3A : memref<!tpu.dma_semaphore, #tpu.memory_space<semaphore_mem>>) src(%dma_wait3A_125 : memref<32x64xi32, #tpu.memory_space<hbm>>) dst(%arg7 : memref<32x64xi32, #tpu.memory_space<vmem>>)
        tpu.yield
      }) : () -> ()
      "tpu.region"() ({
        %run_scoped3A = tpu.sem_alloc : memref<!tpu.dma_semaphore, #tpu.memory_space<semaphore_mem>>
        %dma_start3A_67 = arith.constant 0 : i32
        %dma_start3A_68 = arith.constant 0 : i32
        %dma_start3A_69 = arith.constant 0 : i32
        %dma_start3A_70 = tpu.memref_slice %arg4[%arg1, %dma_start3A_67, %dma_start3A_68, %dma_start3A_69] : memref<16x10x32x64xi32, #tpu.memory_space<hbm>> -> memref<1x10x32x64xi32, #tpu.memory_space<hbm>>
        %dma_start3A_71 = tpu.memref_squeeze %dma_start3A_70 : memref<1x10x32x64xi32, #tpu.memory_space<hbm>> -> memref<10x32x64xi32, #tpu.memory_space<hbm>>
        %dma_start3A_72 = arith.constant 0 : i32
        %dma_start3A_73 = arith.constant 0 : i32
        %dma_start3A_74 = tpu.memref_slice %dma_start3A_71[%scan3A_13, %dma_start3A_72, %dma_start3A_73] : memref<10x32x64xi32, #tpu.memory_space<hbm>> -> memref<1x32x64xi32, #tpu.memory_space<hbm>>
        %dma_start3A_75 = tpu.memref_squeeze %dma_start3A_74 : memref<1x32x64xi32, #tpu.memory_space<hbm>> -> memref<32x64xi32, #tpu.memory_space<hbm>>
        %dma_start3A_76 = arith.constant 0 : i32
        %dma_start3A_77 = arith.constant 0 : i32
        %dma_start3A_78 = arith.constant 0 : i32
        %dma_start3A_79 = tpu.memref_slice %arg4[%arg1, %dma_start3A_76, %dma_start3A_77, %dma_start3A_78] : memref<16x10x32x64xi32, #tpu.memory_space<hbm>> -> memref<1x10x32x64xi32, #tpu.memory_space<hbm>>
        %dma_start3A_80 = tpu.memref_squeeze %dma_start3A_79 : memref<1x10x32x64xi32, #tpu.memory_space<hbm>> -> memref<10x32x64xi32, #tpu.memory_space<hbm>>
        %dma_start3A_81 = arith.constant 0 : i32
        %dma_start3A_82 = arith.constant 0 : i32
        %dma_start3A_83 = tpu.memref_slice %dma_start3A_80[%scan3A_13, %dma_start3A_81, %dma_start3A_82] : memref<10x32x64xi32, #tpu.memory_space<hbm>> -> memref<1x32x64xi32, #tpu.memory_space<hbm>>
        %dma_start3A_84 = tpu.memref_squeeze %dma_start3A_83 : memref<1x32x64xi32, #tpu.memory_space<hbm>> -> memref<32x64xi32, #tpu.memory_space<hbm>>
        tpu.enqueue_dma source(%dma_start3A_84 : memref<32x64xi32, #tpu.memory_space<hbm>>) target(%arg8 : memref<32x64xi32, #tpu.memory_space<vmem>>) target_semaphore(%run_scoped3A : memref<!tpu.dma_semaphore, #tpu.memory_space<semaphore_mem>>)
        %dma_wait3A = arith.constant 0 : i32
        %dma_wait3A_85 = arith.constant 0 : i32
        %dma_wait3A_86 = arith.constant 0 : i32
        %dma_wait3A_87 = tpu.memref_slice %arg4[%arg1, %dma_wait3A, %dma_wait3A_85, %dma_wait3A_86] : memref<16x10x32x64xi32, #tpu.memory_space<hbm>> -> memref<1x10x32x64xi32, #tpu.memory_space<hbm>>
        %dma_wait3A_88 = tpu.memref_squeeze %dma_wait3A_87 : memref<1x10x32x64xi32, #tpu.memory_space<hbm>> -> memref<10x32x64xi32, #tpu.memory_space<hbm>>
        %dma_wait3A_89 = arith.constant 0 : i32
        %dma_wait3A_90 = arith.constant 0 : i32
        %dma_wait3A_91 = tpu.memref_slice %dma_wait3A_88[%scan3A_13, %dma_wait3A_89, %dma_wait3A_90] : memref<10x32x64xi32, #tpu.memory_space<hbm>> -> memref<1x32x64xi32, #tpu.memory_space<hbm>>
        %dma_wait3A_92 = tpu.memref_squeeze %dma_wait3A_91 : memref<1x32x64xi32, #tpu.memory_space<hbm>> -> memref<32x64xi32, #tpu.memory_space<hbm>>
        %dma_wait3A_93 = arith.constant 0 : i32
        %dma_wait3A_94 = arith.constant 0 : i32
        %dma_wait3A_95 = arith.constant 0 : i32
        %dma_wait3A_96 = tpu.memref_slice %arg4[%arg1, %dma_wait3A_93, %dma_wait3A_94, %dma_wait3A_95] : memref<16x10x32x64xi32, #tpu.memory_space<hbm>> -> memref<1x10x32x64xi32, #tpu.memory_space<hbm>>
        %dma_wait3A_97 = tpu.memref_squeeze %dma_wait3A_96 : memref<1x10x32x64xi32, #tpu.memory_space<hbm>> -> memref<10x32x64xi32, #tpu.memory_space<hbm>>
        %dma_wait3A_98 = arith.constant 0 : i32
        %dma_wait3A_99 = arith.constant 0 : i32
        %dma_wait3A_100 = tpu.memref_slice %dma_wait3A_97[%scan3A_13, %dma_wait3A_98, %dma_wait3A_99] : memref<10x32x64xi32, #tpu.memory_space<hbm>> -> memref<1x32x64xi32, #tpu.memory_space<hbm>>
        %dma_wait3A_101 = tpu.memref_squeeze %dma_wait3A_100 : memref<1x32x64xi32, #tpu.memory_space<hbm>> -> memref<32x64xi32, #tpu.memory_space<hbm>>
        tpu.wait_dma2 semaphore(%run_scoped3A : memref<!tpu.dma_semaphore, #tpu.memory_space<semaphore_mem>>) src(%dma_wait3A_101 : memref<32x64xi32, #tpu.memory_space<hbm>>) dst(%arg8 : memref<32x64xi32, #tpu.memory_space<vmem>>)
        tpu.yield
      }) : () -> ()
      %dma_start3A = arith.constant 0 : i32
      %dma_start3A_14 = arith.constant 0 : i32
      %dma_start3A_15 = arith.constant 0 : i32
      %dma_start3A_16 = arith.constant 0 : i32
      %dma_start3A_17 = tpu.memref_slice %arg9[%dma_start3A_14, %dma_start3A_15, %dma_start3A_16] : memref<4x64x128xf32, #tpu.memory_space<vmem>> -> memref<1x64x128xf32, #tpu.memory_space<vmem>>
      %dma_start3A_18 = tpu.memref_squeeze %dma_start3A_17 : memref<1x64x128xf32, #tpu.memory_space<vmem>> -> memref<64x128xf32, #tpu.memory_space<vmem>>
      %dma_start3A_19 = arith.constant 0 : i32
      %dma_start3A_20 = tpu.memref_slice %arg7[%dma_start3A, %dma_start3A_19] : memref<32x64xi32, #tpu.memory_space<vmem>> -> memref<1x64xi32, #tpu.memory_space<vmem>>
      %dma_start3A_21 = tpu.memref_squeeze %dma_start3A_20 : memref<1x64xi32, #tpu.memory_space<vmem>> -> memref<64xi32, #tpu.memory_space<vmem>>
      %dma_start3A_22 = arith.constant 0 : i32
      %dma_start3A_23 = arith.constant 0 : i32
      %dma_start3A_24 = tpu.memref_slice %arg2[%dma_start3A_22, %dma_start3A_23] : memref<20480x128xf32, #tpu.memory_space<hbm>> -> memref<20480x128xf32, #tpu.memory_space<hbm>>
      tpu.enqueue_indirect_dma source(%dma_start3A_24 : memref<20480x128xf32, #tpu.memory_space<hbm>>) target(%dma_start3A_18 : memref<64x128xf32, #tpu.memory_space<vmem>>) offsets(%dma_start3A_21 : memref<64xi32, #tpu.memory_space<vmem>>) semaphore(%arg11 : memref<!tpu.dma_semaphore, #tpu.memory_space<semaphore_mem>>)
      %dma_start3A_25 = arith.constant 1 : i32
      %dma_start3A_26 = arith.constant 1 : i32
      %dma_start3A_27 = arith.constant 0 : i32
      %dma_start3A_28 = arith.constant 0 : i32
      %dma_start3A_29 = tpu.memref_slice %arg9[%dma_start3A_26, %dma_start3A_27, %dma_start3A_28] : memref<4x64x128xf32, #tpu.memory_space<vmem>> -> memref<1x64x128xf32, #tpu.memory_space<vmem>>
      %dma_start3A_30 = tpu.memref_squeeze %dma_start3A_29 : memref<1x64x128xf32, #tpu.memory_space<vmem>> -> memref<64x128xf32, #tpu.memory_space<vmem>>
      %dma_start3A_31 = arith.constant 0 : i32
      %dma_start3A_32 = tpu.memref_slice %arg7[%dma_start3A_25, %dma_start3A_31] : memref<32x64xi32, #tpu.memory_space<vmem>> -> memref<1x64xi32, #tpu.memory_space<vmem>>
      %dma_start3A_33 = tpu.memref_squeeze %dma_start3A_32 : memref<1x64xi32, #tpu.memory_space<vmem>> -> memref<64xi32, #tpu.memory_space<vmem>>
      %dma_start3A_34 = arith.constant 0 : i32
      %dma_start3A_35 = arith.constant 0 : i32
      %dma_start3A_36 = tpu.memref_slice %arg2[%dma_start3A_34, %dma_start3A_35] : memref<20480x128xf32, #tpu.memory_space<hbm>> -> memref<20480x128xf32, #tpu.memory_space<hbm>>
      tpu.enqueue_indirect_dma source(%dma_start3A_36 : memref<20480x128xf32, #tpu.memory_space<hbm>>) target(%dma_start3A_30 : memref<64x128xf32, #tpu.memory_space<vmem>>) offsets(%dma_start3A_33 : memref<64xi32, #tpu.memory_space<vmem>>) semaphore(%arg11 : memref<!tpu.dma_semaphore, #tpu.memory_space<semaphore_mem>>)
      %dma_start3A_37 = arith.constant 2 : i32
      %dma_start3A_38 = arith.constant 2 : i32
      %dma_start3A_39 = arith.constant 0 : i32
      %dma_start3A_40 = arith.constant 0 : i32
      %dma_start3A_41 = tpu.memref_slice %arg9[%dma_start3A_38, %dma_start3A_39, %dma_start3A_40] : memref<4x64x128xf32, #tpu.memory_space<vmem>> -> memref<1x64x128xf32, #tpu.memory_space<vmem>>
      %dma_start3A_42 = tpu.memref_squeeze %dma_start3A_41 : memref<1x64x128xf32, #tpu.memory_space<vmem>> -> memref<64x128xf32, #tpu.memory_space<vmem>>
      %dma_start3A_43 = arith.constant 0 : i32
      %dma_start3A_44 = tpu.memref_slice %arg7[%dma_start3A_37, %dma_start3A_43] : memref<32x64xi32, #tpu.memory_space<vmem>> -> memref<1x64xi32, #tpu.memory_space<vmem>>
      %dma_start3A_45 = tpu.memref_squeeze %dma_start3A_44 : memref<1x64xi32, #tpu.memory_space<vmem>> -> memref<64xi32, #tpu.memory_space<vmem>>
      %dma_start3A_46 = arith.constant 0 : i32
      %dma_start3A_47 = arith.constant 0 : i32
      %dma_start3A_48 = tpu.memref_slice %arg2[%dma_start3A_46, %dma_start3A_47] : memref<20480x128xf32, #tpu.memory_space<hbm>> -> memref<20480x128xf32, #tpu.memory_space<hbm>>
      tpu.enqueue_indirect_dma source(%dma_start3A_48 : memref<20480x128xf32, #tpu.memory_space<hbm>>) target(%dma_start3A_42 : memref<64x128xf32, #tpu.memory_space<vmem>>) offsets(%dma_start3A_45 : memref<64xi32, #tpu.memory_space<vmem>>) semaphore(%arg11 : memref<!tpu.dma_semaphore, #tpu.memory_space<semaphore_mem>>)
      %dma_start3A_49 = arith.constant 3 : i32
      %dma_start3A_50 = arith.constant 3 : i32
      %dma_start3A_51 = arith.constant 0 : i32
      %dma_start3A_52 = arith.constant 0 : i32
      %dma_start3A_53 = tpu.memref_slice %arg9[%dma_start3A_50, %dma_start3A_51, %dma_start3A_52] : memref<4x64x128xf32, #tpu.memory_space<vmem>> -> memref<1x64x128xf32, #tpu.memory_space<vmem>>
      %dma_start3A_54 = tpu.memref_squeeze %dma_start3A_53 : memref<1x64x128xf32, #tpu.memory_space<vmem>> -> memref<64x128xf32, #tpu.memory_space<vmem>>
      %dma_start3A_55 = arith.constant 0 : i32
      %dma_start3A_56 = tpu.memref_slice %arg7[%dma_start3A_49, %dma_start3A_55] : memref<32x64xi32, #tpu.memory_space<vmem>> -> memref<1x64xi32, #tpu.memory_space<vmem>>
      %dma_start3A_57 = tpu.memref_squeeze %dma_start3A_56 : memref<1x64xi32, #tpu.memory_space<vmem>> -> memref<64xi32, #tpu.memory_space<vmem>>
      %dma_start3A_58 = arith.constant 0 : i32
      %dma_start3A_59 = arith.constant 0 : i32
      %dma_start3A_60 = tpu.memref_slice %arg2[%dma_start3A_58, %dma_start3A_59] : memref<20480x128xf32, #tpu.memory_space<hbm>> -> memref<20480x128xf32, #tpu.memory_space<hbm>>
      tpu.enqueue_indirect_dma source(%dma_start3A_60 : memref<20480x128xf32, #tpu.memory_space<hbm>>) target(%dma_start3A_54 : memref<64x128xf32, #tpu.memory_space<vmem>>) offsets(%dma_start3A_57 : memref<64xi32, #tpu.memory_space<vmem>>) semaphore(%arg11 : memref<!tpu.dma_semaphore, #tpu.memory_space<semaphore_mem>>)
      %scan3A_61 = arith.constant 0 : i32
      %scan3A_62 = arith.constant 0 : i32
      %scan3A_63 = arith.constant 32 : i32
      %scan3A_64 = arith.addi %scan3A_62, %scan3A_63 : i32
      %scan3A_65 = arith.constant 1 : i32
      scf.for %scan3A_67 = %scan3A_62 to %scan3A_64 step %scan3A_65  : i32 {
        %and3A = arith.constant 3 : i32
        %and3A_68 = arith.andi %scan3A_67, %and3A : i32
        %dma_wait3A = arith.constant 0 : i32
        %dma_wait3A_69 = arith.constant 0 : i32
        %dma_wait3A_70 = tpu.memref_slice %arg9[%and3A_68, %dma_wait3A, %dma_wait3A_69] : memref<4x64x128xf32, #tpu.memory_space<vmem>> -> memref<1x64x128xf32, #tpu.memory_space<vmem>>
        %dma_wait3A_71 = tpu.memref_squeeze %dma_wait3A_70 : memref<1x64x128xf32, #tpu.memory_space<vmem>> -> memref<64x128xf32, #tpu.memory_space<vmem>>
        %dma_wait3A_72 = arith.constant 0 : i32
        %dma_wait3A_73 = tpu.memref_slice %arg7[%scan3A_67, %dma_wait3A_72] : memref<32x64xi32, #tpu.memory_space<vmem>> -> memref<1x64xi32, #tpu.memory_space<vmem>>
        %dma_wait3A_74 = tpu.memref_squeeze %dma_wait3A_73 : memref<1x64xi32, #tpu.memory_space<vmem>> -> memref<64xi32, #tpu.memory_space<vmem>>
        %dma_wait3A_75 = arith.constant 0 : i32
        %dma_wait3A_76 = arith.constant 0 : i32
        %dma_wait3A_77 = tpu.memref_slice %arg2[%dma_wait3A_75, %dma_wait3A_76] : memref<20480x128xf32, #tpu.memory_space<hbm>> -> memref<20480x128xf32, #tpu.memory_space<hbm>>
        tpu.wait_indirect_dma semaphore(%arg11 : memref<!tpu.dma_semaphore, #tpu.memory_space<semaphore_mem>>) src(%dma_wait3A_77 : memref<20480x128xf32, #tpu.memory_space<hbm>>) dst(%dma_wait3A_71 : memref<64x128xf32, #tpu.memory_space<vmem>>)
        "tpu.region"() ({
          %run_scoped3A = tpu.sem_alloc : memref<!tpu.dma_semaphore, #tpu.memory_space<semaphore_mem>>
          %dma_start3A_82 = arith.constant 0 : i32
          %dma_start3A_83 = arith.constant 0 : i32
          %dma_start3A_84 = tpu.memref_slice %arg9[%and3A_68, %dma_start3A_82, %dma_start3A_83] : memref<4x64x128xf32, #tpu.memory_space<vmem>> -> memref<1x64x128xf32, #tpu.memory_space<vmem>>
          %dma_start3A_85 = tpu.memref_squeeze %dma_start3A_84 : memref<1x64x128xf32, #tpu.memory_space<vmem>> -> memref<64x128xf32, #tpu.memory_space<vmem>>
          %dma_start3A_86 = arith.constant 0 : i32
          %dma_start3A_87 = tpu.memref_slice %arg8[%scan3A_67, %dma_start3A_86] : memref<32x64xi32, #tpu.memory_space<vmem>> -> memref<1x64xi32, #tpu.memory_space<vmem>>
          %dma_start3A_88 = tpu.memref_squeeze %dma_start3A_87 : memref<1x64xi32, #tpu.memory_space<vmem>> -> memref<64xi32, #tpu.memory_space<vmem>>
          %dma_start3A_89 = arith.constant 0 : i32
          %dma_start3A_90 = arith.constant 0 : i32
          %dma_start3A_91 = tpu.memref_slice %arg10[%dma_start3A_89, %dma_start3A_90] : memref<10240x128xf32, #tpu.memory_space<vmem_shared>> -> memref<10240x128xf32, #tpu.memory_space<vmem_shared>>
          tpu.enqueue_indirect_dma source(%dma_start3A_85 : memref<64x128xf32, #tpu.memory_space<vmem>>) target(%dma_start3A_91 : memref<10240x128xf32, #tpu.memory_space<vmem_shared>>) offsets(%dma_start3A_88 : memref<64xi32, #tpu.memory_space<vmem>>) semaphore(%run_scoped3A : memref<!tpu.dma_semaphore, #tpu.memory_space<semaphore_mem>>) {add = true}
          %dma_wait3A_92 = arith.constant 0 : i32
          %dma_wait3A_93 = arith.constant 0 : i32
          %dma_wait3A_94 = tpu.memref_slice %arg9[%and3A_68, %dma_wait3A_92, %dma_wait3A_93] : memref<4x64x128xf32, #tpu.memory_space<vmem>> -> memref<1x64x128xf32, #tpu.memory_space<vmem>>
          %dma_wait3A_95 = tpu.memref_squeeze %dma_wait3A_94 : memref<1x64x128xf32, #tpu.memory_space<vmem>> -> memref<64x128xf32, #tpu.memory_space<vmem>>
          %dma_wait3A_96 = arith.constant 0 : i32
          %dma_wait3A_97 = tpu.memref_slice %arg8[%scan3A_67, %dma_wait3A_96] : memref<32x64xi32, #tpu.memory_space<vmem>> -> memref<1x64xi32, #tpu.memory_space<vmem>>
          %dma_wait3A_98 = tpu.memref_squeeze %dma_wait3A_97 : memref<1x64xi32, #tpu.memory_space<vmem>> -> memref<64xi32, #tpu.memory_space<vmem>>
          %dma_wait3A_99 = arith.constant 0 : i32
          %dma_wait3A_100 = arith.constant 0 : i32
          %dma_wait3A_101 = tpu.memref_slice %arg10[%dma_wait3A_99, %dma_wait3A_100] : memref<10240x128xf32, #tpu.memory_space<vmem_shared>> -> memref<10240x128xf32, #tpu.memory_space<vmem_shared>>
          tpu.wait_indirect_dma semaphore(%run_scoped3A : memref<!tpu.dma_semaphore, #tpu.memory_space<semaphore_mem>>) src(%dma_wait3A_95 : memref<64x128xf32, #tpu.memory_space<vmem>>) dst(%dma_wait3A_101 : memref<10240x128xf32, #tpu.memory_space<vmem_shared>>)
          tpu.yield
        }) : () -> ()
        %add3A_78 = arith.constant 4 : i32
        %add3A_79 = arith.addi %scan3A_67, %add3A_78 : i32
        %lt3A = arith.constant 32 : i32
        %lt3A_80 = arith.cmpi slt, %add3A_79, %lt3A : i32
        %convert_element_type3A = arith.extui %lt3A_80 : i1 to i32
        %cond3A = arith.constant 0 : i32
        %cond3A_81 = arith.cmpi ne, %convert_element_type3A, %cond3A : i32
        scf.if %cond3A_81 {
          %add3A_82 = arith.constant 4 : i32
          %add3A_83 = arith.addi %scan3A_67, %add3A_82 : i32
          %dma_start3A_84 = arith.constant 0 : i32
          %dma_start3A_85 = arith.constant 0 : i32
          %dma_start3A_86 = tpu.memref_slice %arg9[%and3A_68, %dma_start3A_84, %dma_start3A_85] : memref<4x64x128xf32, #tpu.memory_space<vmem>> -> memref<1x64x128xf32, #tpu.memory_space<vmem>>
          %dma_start3A_87 = tpu.memref_squeeze %dma_start3A_86 : memref<1x64x128xf32, #tpu.memory_space<vmem>> -> memref<64x128xf32, #tpu.memory_space<vmem>>
          %dma_start3A_88 = arith.constant 0 : i32
          %dma_start3A_89 = tpu.memref_slice %arg7[%add3A_83, %dma_start3A_88] : memref<32x64xi32, #tpu.memory_space<vmem>> -> memref<1x64xi32, #tpu.memory_space<vmem>>
          %dma_start3A_90 = tpu.memref_squeeze %dma_start3A_89 : memref<1x64xi32, #tpu.memory_space<vmem>> -> memref<64xi32, #tpu.memory_space<vmem>>
          %dma_start3A_91 = arith.constant 0 : i32
          %dma_start3A_92 = arith.constant 0 : i32
          %dma_start3A_93 = tpu.memref_slice %arg2[%dma_start3A_91, %dma_start3A_92] : memref<20480x128xf32, #tpu.memory_space<hbm>> -> memref<20480x128xf32, #tpu.memory_space<hbm>>
          tpu.enqueue_indirect_dma source(%dma_start3A_93 : memref<20480x128xf32, #tpu.memory_space<hbm>>) target(%dma_start3A_87 : memref<64x128xf32, #tpu.memory_space<vmem>>) offsets(%dma_start3A_90 : memref<64xi32, #tpu.memory_space<vmem>>) semaphore(%arg11 : memref<!tpu.dma_semaphore, #tpu.memory_space<semaphore_mem>>)
        } else {
        }
      }
      %scan3A_66 = arith.constant 32 : i32
    }
    %scan3A_5 = arith.constant 10 : i32
    %barrier3A_6 = arith.constant 0 : index
    tpu.barrier barrier_id(%barrier3A_6)
    %mul3A_7 = arith.constant 640 : i32
    %mul3A_8 = arith.muli %arg1, %mul3A_7 : i32
    %mul3A_9 = arith.constant 10240 : i32
    %mul3A_10 = arith.muli %arg0, %mul3A_9 : i32
    %mul3A_11 = arith.constant 640 : i32
    %mul3A_12 = arith.muli %arg1, %mul3A_11 : i32
    %add3A = arith.addi %mul3A_10, %mul3A_12 : i32
    "tpu.region"() ({
      %run_scoped3A = tpu.sem_alloc : memref<!tpu.dma_semaphore, #tpu.memory_space<semaphore_mem>>
      %dma_start3A = arith.constant 0 : i32
      %dma_start3A_13 = tpu.memref_slice %arg6[%add3A, %dma_start3A] : memref<20480x128xf32, #tpu.memory_space<hbm>> -> memref<640x128xf32, #tpu.memory_space<hbm>>
      %dma_start3A_14 = arith.constant 0 : i32
      %dma_start3A_15 = tpu.memref_slice %arg10[%mul3A_8, %dma_start3A_14] : memref<10240x128xf32, #tpu.memory_space<vmem_shared>> -> memref<640x128xf32, #tpu.memory_space<vmem_shared>>
      tpu.enqueue_dma source(%dma_start3A_15 : memref<640x128xf32, #tpu.memory_space<vmem_shared>>) target(%dma_start3A_13 : memref<640x128xf32, #tpu.memory_space<hbm>>) target_semaphore(%run_scoped3A : memref<!tpu.dma_semaphore, #tpu.memory_space<semaphore_mem>>)
      %dma_wait3A = arith.constant 0 : i32
      %dma_wait3A_16 = tpu.memref_slice %arg6[%add3A, %dma_wait3A] : memref<20480x128xf32, #tpu.memory_space<hbm>> -> memref<640x128xf32, #tpu.memory_space<hbm>>
      %dma_wait3A_17 = arith.constant 0 : i32
      %dma_wait3A_18 = tpu.memref_slice %arg10[%mul3A_8, %dma_wait3A_17] : memref<10240x128xf32, #tpu.memory_space<vmem_shared>> -> memref<640x128xf32, #tpu.memory_space<vmem_shared>>
      tpu.wait_dma2 semaphore(%run_scoped3A : memref<!tpu.dma_semaphore, #tpu.memory_space<semaphore_mem>>) src(%dma_wait3A_18 : memref<640x128xf32, #tpu.memory_space<vmem_shared>>) dst(%dma_wait3A_16 : memref<640x128xf32, #tpu.memory_space<hbm>>)
      tpu.yield
    }) : () -> ()
    return
  }
}

#map = affine_map<(d0, d1) -> (0, 0)>
#map1 = affine_map<(d0, d1) -> (0, 0, 0, 0, 0)>
#map2 = affine_map<(d0, d1) -> (0, 0, 0, 0)>
module attributes {stable_mosaic.version = 14 : i64} {
  func.func @body(%arg0: i32, %arg1: i32, %arg2: memref<20480x128xf32, #tpu.memory_space<hbm>>, %arg3: memref<2x16x10x32x64xi32, #tpu.memory_space<hbm>>, %arg4: memref<16x10x32x64xi32, #tpu.memory_space<hbm>>, %arg5: memref<640x128xf32, #tpu.memory_space<hbm>>, %arg6: memref<20480x128xf32, #tpu.memory_space<hbm>>, %arg7: memref<32x64xi32, #tpu.memory_space<vmem>>, %arg8: memref<32x64xi32, #tpu.memory_space<vmem>>, %arg9: memref<4x64x128xf32, #tpu.memory_space<vmem>>, %arg10: memref<10240x128xf32, #tpu.memory_space<vmem_shared>>, %arg11: memref<!tpu.dma_semaphore, #tpu.memory_space<semaphore_mem>>, %arg12: memref<!tpu.dma_semaphore, #tpu.memory_space<semaphore_mem>>) attributes {dimension_semantics = [#tpu.dimension_semantics<core_parallel>, #tpu.dimension_semantics<subcore_parallel>], iteration_bounds = array<i64: 2, 16>, scalar_prefetch = 0 : i64, scratch_operands = 6 : i64, tpu.core_type = #tpu.core_type<sc_vector_subcore>, window_params = [{transform_indices = #map}, {transform_indices = #map1}, {transform_indices = #map2}, {transform_indices = #map}, {transform_indices = #map}]} {
    %mul3A = arith.constant 640 : i32
    %mul3A_0 = arith.muli %arg1, %mul3A : i32
    "tpu.region"() ({
      %run_scoped3A = tpu.sem_alloc : memref<!tpu.dma_semaphore, #tpu.memory_space<semaphore_mem>>
      %dma_start3A = arith.constant 0 : i32
      %dma_start3A_13 = tpu.memref_slice %arg10[%mul3A_0, %dma_start3A] : memref<10240x128xf32, #tpu.memory_space<vmem_shared>> -> memref<640x128xf32, #tpu.memory_space<vmem_shared>>
      tpu.enqueue_dma source(%arg5 : memref<640x128xf32, #tpu.memory_space<hbm>>) target(%dma_start3A_13 : memref<640x128xf32, #tpu.memory_space<vmem_shared>>) target_semaphore(%run_scoped3A : memref<!tpu.dma_semaphore, #tpu.memory_space<semaphore_mem>>)
      %dma_wait3A = arith.constant 0 : i32
      %dma_wait3A_14 = tpu.memref_slice %arg10[%mul3A_0, %dma_wait3A] : memref<10240x128xf32, #tpu.memory_space<vmem_shared>> -> memref<640x128xf32, #tpu.memory_space<vmem_shared>>
      tpu.wait_dma2 semaphore(%run_scoped3A : memref<!tpu.dma_semaphore, #tpu.memory_space<semaphore_mem>>) src(%arg5 : memref<640x128xf32, #tpu.memory_space<hbm>>) dst(%dma_wait3A_14 : memref<640x128xf32, #tpu.memory_space<vmem_shared>>)
      tpu.yield
    }) : () -> ()
    %barrier3A = arith.constant 0 : index
    tpu.barrier barrier_id(%barrier3A)
    %scan3A = arith.constant 0 : i32
    %scan3A_1 = arith.constant 0 : i32
    %scan3A_2 = arith.constant 10 : i32
    %scan3A_3 = arith.addi %scan3A_1, %scan3A_2 : i32
    %scan3A_4 = arith.constant 1 : i32
    scf.for %scan3A_13 = %scan3A_1 to %scan3A_3 step %scan3A_4  : i32 {
      "tpu.region"() ({
        %run_scoped3A = tpu.sem_alloc : memref<!tpu.dma_semaphore, #tpu.memory_space<semaphore_mem>>
        %dma_start3A_67 = arith.constant 0 : i32
        %dma_start3A_68 = arith.constant 0 : i32
        %dma_start3A_69 = arith.constant 0 : i32
        %dma_start3A_70 = arith.constant 0 : i32
        %dma_start3A_71 = tpu.memref_slice %arg3[%arg0, %dma_start3A_67, %dma_start3A_68, %dma_start3A_69, %dma_start3A_70] : memref<2x16x10x32x64xi32, #tpu.memory_space<hbm>> -> memref<1x16x10x32x64xi32, #tpu.memory_space<hbm>>
        %dma_start3A_72 = tpu.memref_squeeze %dma_start3A_71 : memref<1x16x10x32x64xi32, #tpu.memory_space<hbm>> -> memref<16x10x32x64xi32, #tpu.memory_space<hbm>>
        %dma_start3A_73 = arith.constant 0 : i32
        %dma_start3A_74 = arith.constant 0 : i32
        %dma_start3A_75 = arith.constant 0 : i32
        %dma_start3A_76 = tpu.memref_slice %dma_start3A_72[%arg1, %dma_start3A_73, %dma_start3A_74, %dma_start3A_75] : memref<16x10x32x64xi32, #tpu.memory_space<hbm>> -> memref<1x10x32x64xi32, #tpu.memory_space<hbm>>
        %dma_start3A_77 = tpu.memref_squeeze %dma_start3A_76 : memref<1x10x32x64xi32, #tpu.memory_space<hbm>> -> memref<10x32x64xi32, #tpu.memory_space<hbm>>
        %dma_start3A_78 = arith.constant 0 : i32
        %dma_start3A_79 = arith.constant 0 : i32
        %dma_start3A_80 = tpu.memref_slice %dma_start3A_77[%scan3A_13, %dma_start3A_78, %dma_start3A_79] : memref<10x32x64xi32, #tpu.memory_space<hbm>> -> memref<1x32x64xi32, #tpu.memory_space<hbm>>
        %dma_start3A_81 = tpu.memref_squeeze %dma_start3A_80 : memref<1x32x64xi32, #tpu.memory_space<hbm>> -> memref<32x64xi32, #tpu.memory_space<hbm>>
        %dma_start3A_82 = arith.constant 0 : i32
        %dma_start3A_83 = arith.constant 0 : i32
        %dma_start3A_84 = arith.constant 0 : i32
        %dma_start3A_85 = arith.constant 0 : i32
        %dma_start3A_86 = tpu.memref_slice %arg3[%arg0, %dma_start3A_82, %dma_start3A_83, %dma_start3A_84, %dma_start3A_85] : memref<2x16x10x32x64xi32, #tpu.memory_space<hbm>> -> memref<1x16x10x32x64xi32, #tpu.memory_space<hbm>>
        %dma_start3A_87 = tpu.memref_squeeze %dma_start3A_86 : memref<1x16x10x32x64xi32, #tpu.memory_space<hbm>> -> memref<16x10x32x64xi32, #tpu.memory_space<hbm>>
        %dma_start3A_88 = arith.constant 0 : i32
        %dma_start3A_89 = arith.constant 0 : i32
        %dma_start3A_90 = arith.constant 0 : i32
        %dma_start3A_91 = tpu.memref_slice %dma_start3A_87[%arg1, %dma_start3A_88, %dma_start3A_89, %dma_start3A_90] : memref<16x10x32x64xi32, #tpu.memory_space<hbm>> -> memref<1x10x32x64xi32, #tpu.memory_space<hbm>>
        %dma_start3A_92 = tpu.memref_squeeze %dma_start3A_91 : memref<1x10x32x64xi32, #tpu.memory_space<hbm>> -> memref<10x32x64xi32, #tpu.memory_space<hbm>>
        %dma_start3A_93 = arith.constant 0 : i32
        %dma_start3A_94 = arith.constant 0 : i32
        %dma_start3A_95 = tpu.memref_slice %dma_start3A_92[%scan3A_13, %dma_start3A_93, %dma_start3A_94] : memref<10x32x64xi32, #tpu.memory_space<hbm>> -> memref<1x32x64xi32, #tpu.memory_space<hbm>>
        %dma_start3A_96 = tpu.memref_squeeze %dma_start3A_95 : memref<1x32x64xi32, #tpu.memory_space<hbm>> -> memref<32x64xi32, #tpu.memory_space<hbm>>
        tpu.enqueue_dma source(%dma_start3A_96 : memref<32x64xi32, #tpu.memory_space<hbm>>) target(%arg7 : memref<32x64xi32, #tpu.memory_space<vmem>>) target_semaphore(%run_scoped3A : memref<!tpu.dma_semaphore, #tpu.memory_space<semaphore_mem>>)
        %dma_wait3A = arith.constant 0 : i32
        %dma_wait3A_97 = arith.constant 0 : i32
        %dma_wait3A_98 = arith.constant 0 : i32
        %dma_wait3A_99 = arith.constant 0 : i32
        %dma_wait3A_100 = tpu.memref_slice %arg3[%arg0, %dma_wait3A, %dma_wait3A_97, %dma_wait3A_98, %dma_wait3A_99] : memref<2x16x10x32x64xi32, #tpu.memory_space<hbm>> -> memref<1x16x10x32x64xi32, #tpu.memory_space<hbm>>
        %dma_wait3A_101 = tpu.memref_squeeze %dma_wait3A_100 : memref<1x16x10x32x64xi32, #tpu.memory_space<hbm>> -> memref<16x10x32x64xi32, #tpu.memory_space<hbm>>
        %dma_wait3A_102 = arith.constant 0 : i32
        %dma_wait3A_103 = arith.constant 0 : i32
        %dma_wait3A_104 = arith.constant 0 : i32
        %dma_wait3A_105 = tpu.memref_slice %dma_wait3A_101[%arg1, %dma_wait3A_102, %dma_wait3A_103, %dma_wait3A_104] : memref<16x10x32x64xi32, #tpu.memory_space<hbm>> -> memref<1x10x32x64xi32, #tpu.memory_space<hbm>>
        %dma_wait3A_106 = tpu.memref_squeeze %dma_wait3A_105 : memref<1x10x32x64xi32, #tpu.memory_space<hbm>> -> memref<10x32x64xi32, #tpu.memory_space<hbm>>
        %dma_wait3A_107 = arith.constant 0 : i32
        %dma_wait3A_108 = arith.constant 0 : i32
        %dma_wait3A_109 = tpu.memref_slice %dma_wait3A_106[%scan3A_13, %dma_wait3A_107, %dma_wait3A_108] : memref<10x32x64xi32, #tpu.memory_space<hbm>> -> memref<1x32x64xi32, #tpu.memory_space<hbm>>
        %dma_wait3A_110 = tpu.memref_squeeze %dma_wait3A_109 : memref<1x32x64xi32, #tpu.memory_space<hbm>> -> memref<32x64xi32, #tpu.memory_space<hbm>>
        %dma_wait3A_111 = arith.constant 0 : i32
        %dma_wait3A_112 = arith.constant 0 : i32
        %dma_wait3A_113 = arith.constant 0 : i32
        %dma_wait3A_114 = arith.constant 0 : i32
        %dma_wait3A_115 = tpu.memref_slice %arg3[%arg0, %dma_wait3A_111, %dma_wait3A_112, %dma_wait3A_113, %dma_wait3A_114] : memref<2x16x10x32x64xi32, #tpu.memory_space<hbm>> -> memref<1x16x10x32x64xi32, #tpu.memory_space<hbm>>
        %dma_wait3A_116 = tpu.memref_squeeze %dma_wait3A_115 : memref<1x16x10x32x64xi32, #tpu.memory_space<hbm>> -> memref<16x10x32x64xi32, #tpu.memory_space<hbm>>
        %dma_wait3A_117 = arith.constant 0 : i32
        %dma_wait3A_118 = arith.constant 0 : i32
        %dma_wait3A_119 = arith.constant 0 : i32
        %dma_wait3A_120 = tpu.memref_slice %dma_wait3A_116[%arg1, %dma_wait3A_117, %dma_wait3A_118, %dma_wait3A_119] : memref<16x10x32x64xi32, #tpu.memory_space<hbm>> -> memref<1x10x32x64xi32, #tpu.memory_space<hbm>>
        %dma_wait3A_121 = tpu.memref_squeeze %dma_wait3A_120 : memref<1x10x32x64xi32, #tpu.memory_space<hbm>> -> memref<10x32x64xi32, #tpu.memory_space<hbm>>
        %dma_wait3A_122 = arith.constant 0 : i32
        %dma_wait3A_123 = arith.constant 0 : i32
        %dma_wait3A_124 = tpu.memref_slice %dma_wait3A_121[%scan3A_13, %dma_wait3A_122, %dma_wait3A_123] : memref<10x32x64xi32, #tpu.memory_space<hbm>> -> memref<1x32x64xi32, #tpu.memory_space<hbm>>
        %dma_wait3A_125 = tpu.memref_squeeze %dma_wait3A_124 : memref<1x32x64xi32, #tpu.memory_space<hbm>> -> memref<32x64xi32, #tpu.memory_space<hbm>>
        tpu.wait_dma2 semaphore(%run_scoped3A : memref<!tpu.dma_semaphore, #tpu.memory_space<semaphore_mem>>) src(%dma_wait3A_125 : memref<32x64xi32, #tpu.memory_space<hbm>>) dst(%arg7 : memref<32x64xi32, #tpu.memory_space<vmem>>)
        tpu.yield
      }) : () -> ()
      "tpu.region"() ({
        %run_scoped3A = tpu.sem_alloc : memref<!tpu.dma_semaphore, #tpu.memory_space<semaphore_mem>>
        %dma_start3A_67 = arith.constant 0 : i32
        %dma_start3A_68 = arith.constant 0 : i32
        %dma_start3A_69 = arith.constant 0 : i32
        %dma_start3A_70 = tpu.memref_slice %arg4[%arg1, %dma_start3A_67, %dma_start3A_68, %dma_start3A_69] : memref<16x10x32x64xi32, #tpu.memory_space<hbm>> -> memref<1x10x32x64xi32, #tpu.memory_space<hbm>>
        %dma_start3A_71 = tpu.memref_squeeze %dma_start3A_70 : memref<1x10x32x64xi32, #tpu.memory_space<hbm>> -> memref<10x32x64xi32, #tpu.memory_space<hbm>>
        %dma_start3A_72 = arith.constant 0 : i32
        %dma_start3A_73 = arith.constant 0 : i32
        %dma_start3A_74 = tpu.memref_slice %dma_start3A_71[%scan3A_13, %dma_start3A_72, %dma_start3A_73] : memref<10x32x64xi32, #tpu.memory_space<hbm>> -> memref<1x32x64xi32, #tpu.memory_space<hbm>>
        %dma_start3A_75 = tpu.memref_squeeze %dma_start3A_74 : memref<1x32x64xi32, #tpu.memory_space<hbm>> -> memref<32x64xi32, #tpu.memory_space<hbm>>
        %dma_start3A_76 = arith.constant 0 : i32
        %dma_start3A_77 = arith.constant 0 : i32
        %dma_start3A_78 = arith.constant 0 : i32
        %dma_start3A_79 = tpu.memref_slice %arg4[%arg1, %dma_start3A_76, %dma_start3A_77, %dma_start3A_78] : memref<16x10x32x64xi32, #tpu.memory_space<hbm>> -> memref<1x10x32x64xi32, #tpu.memory_space<hbm>>
        %dma_start3A_80 = tpu.memref_squeeze %dma_start3A_79 : memref<1x10x32x64xi32, #tpu.memory_space<hbm>> -> memref<10x32x64xi32, #tpu.memory_space<hbm>>
        %dma_start3A_81 = arith.constant 0 : i32
        %dma_start3A_82 = arith.constant 0 : i32
        %dma_start3A_83 = tpu.memref_slice %dma_start3A_80[%scan3A_13, %dma_start3A_81, %dma_start3A_82] : memref<10x32x64xi32, #tpu.memory_space<hbm>> -> memref<1x32x64xi32, #tpu.memory_space<hbm>>
        %dma_start3A_84 = tpu.memref_squeeze %dma_start3A_83 : memref<1x32x64xi32, #tpu.memory_space<hbm>> -> memref<32x64xi32, #tpu.memory_space<hbm>>
        tpu.enqueue_dma source(%dma_start3A_84 : memref<32x64xi32, #tpu.memory_space<hbm>>) target(%arg8 : memref<32x64xi32, #tpu.memory_space<vmem>>) target_semaphore(%run_scoped3A : memref<!tpu.dma_semaphore, #tpu.memory_space<semaphore_mem>>)
        %dma_wait3A = arith.constant 0 : i32
        %dma_wait3A_85 = arith.constant 0 : i32
        %dma_wait3A_86 = arith.constant 0 : i32
        %dma_wait3A_87 = tpu.memref_slice %arg4[%arg1, %dma_wait3A, %dma_wait3A_85, %dma_wait3A_86] : memref<16x10x32x64xi32, #tpu.memory_space<hbm>> -> memref<1x10x32x64xi32, #tpu.memory_space<hbm>>
        %dma_wait3A_88 = tpu.memref_squeeze %dma_wait3A_87 : memref<1x10x32x64xi32, #tpu.memory_space<hbm>> -> memref<10x32x64xi32, #tpu.memory_space<hbm>>
        %dma_wait3A_89 = arith.constant 0 : i32
        %dma_wait3A_90 = arith.constant 0 : i32
        %dma_wait3A_91 = tpu.memref_slice %dma_wait3A_88[%scan3A_13, %dma_wait3A_89, %dma_wait3A_90] : memref<10x32x64xi32, #tpu.memory_space<hbm>> -> memref<1x32x64xi32, #tpu.memory_space<hbm>>
        %dma_wait3A_92 = tpu.memref_squeeze %dma_wait3A_91 : memref<1x32x64xi32, #tpu.memory_space<hbm>> -> memref<32x64xi32, #tpu.memory_space<hbm>>
        %dma_wait3A_93 = arith.constant 0 : i32
        %dma_wait3A_94 = arith.constant 0 : i32
        %dma_wait3A_95 = arith.constant 0 : i32
        %dma_wait3A_96 = tpu.memref_slice %arg4[%arg1, %dma_wait3A_93, %dma_wait3A_94, %dma_wait3A_95] : memref<16x10x32x64xi32, #tpu.memory_space<hbm>> -> memref<1x10x32x64xi32, #tpu.memory_space<hbm>>
        %dma_wait3A_97 = tpu.memref_squeeze %dma_wait3A_96 : memref<1x10x32x64xi32, #tpu.memory_space<hbm>> -> memref<10x32x64xi32, #tpu.memory_space<hbm>>
        %dma_wait3A_98 = arith.constant 0 : i32
        %dma_wait3A_99 = arith.constant 0 : i32
        %dma_wait3A_100 = tpu.memref_slice %dma_wait3A_97[%scan3A_13, %dma_wait3A_98, %dma_wait3A_99] : memref<10x32x64xi32, #tpu.memory_space<hbm>> -> memref<1x32x64xi32, #tpu.memory_space<hbm>>
        %dma_wait3A_101 = tpu.memref_squeeze %dma_wait3A_100 : memref<1x32x64xi32, #tpu.memory_space<hbm>> -> memref<32x64xi32, #tpu.memory_space<hbm>>
        tpu.wait_dma2 semaphore(%run_scoped3A : memref<!tpu.dma_semaphore, #tpu.memory_space<semaphore_mem>>) src(%dma_wait3A_101 : memref<32x64xi32, #tpu.memory_space<hbm>>) dst(%arg8 : memref<32x64xi32, #tpu.memory_space<vmem>>)
        tpu.yield
      }) : () -> ()
      %dma_start3A = arith.constant 0 : i32
      %dma_start3A_14 = arith.constant 0 : i32
      %dma_start3A_15 = arith.constant 0 : i32
      %dma_start3A_16 = arith.constant 0 : i32
      %dma_start3A_17 = tpu.memref_slice %arg9[%dma_start3A_14, %dma_start3A_15, %dma_start3A_16] : memref<4x64x128xf32, #tpu.memory_space<vmem>> -> memref<1x64x128xf32, #tpu.memory_space<vmem>>
      %dma_start3A_18 = tpu.memref_squeeze %dma_start3A_17 : memref<1x64x128xf32, #tpu.memory_space<vmem>> -> memref<64x128xf32, #tpu.memory_space<vmem>>
      %dma_start3A_19 = arith.constant 0 : i32
      %dma_start3A_20 = tpu.memref_slice %arg7[%dma_start3A, %dma_start3A_19] : memref<32x64xi32, #tpu.memory_space<vmem>> -> memref<1x64xi32, #tpu.memory_space<vmem>>
      %dma_start3A_21 = tpu.memref_squeeze %dma_start3A_20 : memref<1x64xi32, #tpu.memory_space<vmem>> -> memref<64xi32, #tpu.memory_space<vmem>>
      %dma_start3A_22 = arith.constant 0 : i32
      %dma_start3A_23 = arith.constant 0 : i32
      %dma_start3A_24 = tpu.memref_slice %arg2[%dma_start3A_22, %dma_start3A_23] : memref<20480x128xf32, #tpu.memory_space<hbm>> -> memref<20480x128xf32, #tpu.memory_space<hbm>>
      tpu.enqueue_indirect_dma source(%dma_start3A_24 : memref<20480x128xf32, #tpu.memory_space<hbm>>) target(%dma_start3A_18 : memref<64x128xf32, #tpu.memory_space<vmem>>) offsets(%dma_start3A_21 : memref<64xi32, #tpu.memory_space<vmem>>) semaphore(%arg11 : memref<!tpu.dma_semaphore, #tpu.memory_space<semaphore_mem>>)
      %dma_start3A_25 = arith.constant 1 : i32
      %dma_start3A_26 = arith.constant 1 : i32
      %dma_start3A_27 = arith.constant 0 : i32
      %dma_start3A_28 = arith.constant 0 : i32
      %dma_start3A_29 = tpu.memref_slice %arg9[%dma_start3A_26, %dma_start3A_27, %dma_start3A_28] : memref<4x64x128xf32, #tpu.memory_space<vmem>> -> memref<1x64x128xf32, #tpu.memory_space<vmem>>
      %dma_start3A_30 = tpu.memref_squeeze %dma_start3A_29 : memref<1x64x128xf32, #tpu.memory_space<vmem>> -> memref<64x128xf32, #tpu.memory_space<vmem>>
      %dma_start3A_31 = arith.constant 0 : i32
      %dma_start3A_32 = tpu.memref_slice %arg7[%dma_start3A_25, %dma_start3A_31] : memref<32x64xi32, #tpu.memory_space<vmem>> -> memref<1x64xi32, #tpu.memory_space<vmem>>
      %dma_start3A_33 = tpu.memref_squeeze %dma_start3A_32 : memref<1x64xi32, #tpu.memory_space<vmem>> -> memref<64xi32, #tpu.memory_space<vmem>>
      %dma_start3A_34 = arith.constant 0 : i32
      %dma_start3A_35 = arith.constant 0 : i32
      %dma_start3A_36 = tpu.memref_slice %arg2[%dma_start3A_34, %dma_start3A_35] : memref<20480x128xf32, #tpu.memory_space<hbm>> -> memref<20480x128xf32, #tpu.memory_space<hbm>>
      tpu.enqueue_indirect_dma source(%dma_start3A_36 : memref<20480x128xf32, #tpu.memory_space<hbm>>) target(%dma_start3A_30 : memref<64x128xf32, #tpu.memory_space<vmem>>) offsets(%dma_start3A_33 : memref<64xi32, #tpu.memory_space<vmem>>) semaphore(%arg11 : memref<!tpu.dma_semaphore, #tpu.memory_space<semaphore_mem>>)
      %dma_start3A_37 = arith.constant 2 : i32
      %dma_start3A_38 = arith.constant 2 : i32
      %dma_start3A_39 = arith.constant 0 : i32
      %dma_start3A_40 = arith.constant 0 : i32
      %dma_start3A_41 = tpu.memref_slice %arg9[%dma_start3A_38, %dma_start3A_39, %dma_start3A_40] : memref<4x64x128xf32, #tpu.memory_space<vmem>> -> memref<1x64x128xf32, #tpu.memory_space<vmem>>
      %dma_start3A_42 = tpu.memref_squeeze %dma_start3A_41 : memref<1x64x128xf32, #tpu.memory_space<vmem>> -> memref<64x128xf32, #tpu.memory_space<vmem>>
      %dma_start3A_43 = arith.constant 0 : i32
      %dma_start3A_44 = tpu.memref_slice %arg7[%dma_start3A_37, %dma_start3A_43] : memref<32x64xi32, #tpu.memory_space<vmem>> -> memref<1x64xi32, #tpu.memory_space<vmem>>
      %dma_start3A_45 = tpu.memref_squeeze %dma_start3A_44 : memref<1x64xi32, #tpu.memory_space<vmem>> -> memref<64xi32, #tpu.memory_space<vmem>>
      %dma_start3A_46 = arith.constant 0 : i32
      %dma_start3A_47 = arith.constant 0 : i32
      %dma_start3A_48 = tpu.memref_slice %arg2[%dma_start3A_46, %dma_start3A_47] : memref<20480x128xf32, #tpu.memory_space<hbm>> -> memref<20480x128xf32, #tpu.memory_space<hbm>>
      tpu.enqueue_indirect_dma source(%dma_start3A_48 : memref<20480x128xf32, #tpu.memory_space<hbm>>) target(%dma_start3A_42 : memref<64x128xf32, #tpu.memory_space<vmem>>) offsets(%dma_start3A_45 : memref<64xi32, #tpu.memory_space<vmem>>) semaphore(%arg11 : memref<!tpu.dma_semaphore, #tpu.memory_space<semaphore_mem>>)
      %dma_start3A_49 = arith.constant 3 : i32
      %dma_start3A_50 = arith.constant 3 : i32
      %dma_start3A_51 = arith.constant 0 : i32
      %dma_start3A_52 = arith.constant 0 : i32
      %dma_start3A_53 = tpu.memref_slice %arg9[%dma_start3A_50, %dma_start3A_51, %dma_start3A_52] : memref<4x64x128xf32, #tpu.memory_space<vmem>> -> memref<1x64x128xf32, #tpu.memory_space<vmem>>
      %dma_start3A_54 = tpu.memref_squeeze %dma_start3A_53 : memref<1x64x128xf32, #tpu.memory_space<vmem>> -> memref<64x128xf32, #tpu.memory_space<vmem>>
      %dma_start3A_55 = arith.constant 0 : i32
      %dma_start3A_56 = tpu.memref_slice %arg7[%dma_start3A_49, %dma_start3A_55] : memref<32x64xi32, #tpu.memory_space<vmem>> -> memref<1x64xi32, #tpu.memory_space<vmem>>
      %dma_start3A_57 = tpu.memref_squeeze %dma_start3A_56 : memref<1x64xi32, #tpu.memory_space<vmem>> -> memref<64xi32, #tpu.memory_space<vmem>>
      %dma_start3A_58 = arith.constant 0 : i32
      %dma_start3A_59 = arith.constant 0 : i32
      %dma_start3A_60 = tpu.memref_slice %arg2[%dma_start3A_58, %dma_start3A_59] : memref<20480x128xf32, #tpu.memory_space<hbm>> -> memref<20480x128xf32, #tpu.memory_space<hbm>>
      tpu.enqueue_indirect_dma source(%dma_start3A_60 : memref<20480x128xf32, #tpu.memory_space<hbm>>) target(%dma_start3A_54 : memref<64x128xf32, #tpu.memory_space<vmem>>) offsets(%dma_start3A_57 : memref<64xi32, #tpu.memory_space<vmem>>) semaphore(%arg11 : memref<!tpu.dma_semaphore, #tpu.memory_space<semaphore_mem>>)
      %scan3A_61 = arith.constant 0 : i32
      %scan3A_62 = arith.constant 0 : i32
      %scan3A_63 = arith.constant 32 : i32
      %scan3A_64 = arith.addi %scan3A_62, %scan3A_63 : i32
      %scan3A_65 = arith.constant 1 : i32
      scf.for %scan3A_67 = %scan3A_62 to %scan3A_64 step %scan3A_65  : i32 {
        %and3A = arith.constant 3 : i32
        %and3A_68 = arith.andi %scan3A_67, %and3A : i32
        %dma_wait3A = arith.constant 0 : i32
        %dma_wait3A_69 = arith.constant 0 : i32
        %dma_wait3A_70 = tpu.memref_slice %arg9[%and3A_68, %dma_wait3A, %dma_wait3A_69] : memref<4x64x128xf32, #tpu.memory_space<vmem>> -> memref<1x64x128xf32, #tpu.memory_space<vmem>>
        %dma_wait3A_71 = tpu.memref_squeeze %dma_wait3A_70 : memref<1x64x128xf32, #tpu.memory_space<vmem>> -> memref<64x128xf32, #tpu.memory_space<vmem>>
        %dma_wait3A_72 = arith.constant 0 : i32
        %dma_wait3A_73 = tpu.memref_slice %arg7[%scan3A_67, %dma_wait3A_72] : memref<32x64xi32, #tpu.memory_space<vmem>> -> memref<1x64xi32, #tpu.memory_space<vmem>>
        %dma_wait3A_74 = tpu.memref_squeeze %dma_wait3A_73 : memref<1x64xi32, #tpu.memory_space<vmem>> -> memref<64xi32, #tpu.memory_space<vmem>>
        %dma_wait3A_75 = arith.constant 0 : i32
        %dma_wait3A_76 = arith.constant 0 : i32
        %dma_wait3A_77 = tpu.memref_slice %arg2[%dma_wait3A_75, %dma_wait3A_76] : memref<20480x128xf32, #tpu.memory_space<hbm>> -> memref<20480x128xf32, #tpu.memory_space<hbm>>
        tpu.wait_indirect_dma semaphore(%arg11 : memref<!tpu.dma_semaphore, #tpu.memory_space<semaphore_mem>>) src(%dma_wait3A_77 : memref<20480x128xf32, #tpu.memory_space<hbm>>) dst(%dma_wait3A_71 : memref<64x128xf32, #tpu.memory_space<vmem>>)
        "tpu.region"() ({
          %run_scoped3A = tpu.sem_alloc : memref<!tpu.dma_semaphore, #tpu.memory_space<semaphore_mem>>
          %dma_start3A_82 = arith.constant 0 : i32
          %dma_start3A_83 = arith.constant 0 : i32
          %dma_start3A_84 = tpu.memref_slice %arg9[%and3A_68, %dma_start3A_82, %dma_start3A_83] : memref<4x64x128xf32, #tpu.memory_space<vmem>> -> memref<1x64x128xf32, #tpu.memory_space<vmem>>
          %dma_start3A_85 = tpu.memref_squeeze %dma_start3A_84 : memref<1x64x128xf32, #tpu.memory_space<vmem>> -> memref<64x128xf32, #tpu.memory_space<vmem>>
          %dma_start3A_86 = arith.constant 0 : i32
          %dma_start3A_87 = tpu.memref_slice %arg8[%scan3A_67, %dma_start3A_86] : memref<32x64xi32, #tpu.memory_space<vmem>> -> memref<1x64xi32, #tpu.memory_space<vmem>>
          %dma_start3A_88 = tpu.memref_squeeze %dma_start3A_87 : memref<1x64xi32, #tpu.memory_space<vmem>> -> memref<64xi32, #tpu.memory_space<vmem>>
          %dma_start3A_89 = arith.constant 0 : i32
          %dma_start3A_90 = arith.constant 0 : i32
          %dma_start3A_91 = tpu.memref_slice %arg10[%dma_start3A_89, %dma_start3A_90] : memref<10240x128xf32, #tpu.memory_space<vmem_shared>> -> memref<10240x128xf32, #tpu.memory_space<vmem_shared>>
          tpu.enqueue_indirect_dma source(%dma_start3A_85 : memref<64x128xf32, #tpu.memory_space<vmem>>) target(%dma_start3A_91 : memref<10240x128xf32, #tpu.memory_space<vmem_shared>>) offsets(%dma_start3A_88 : memref<64xi32, #tpu.memory_space<vmem>>) semaphore(%run_scoped3A : memref<!tpu.dma_semaphore, #tpu.memory_space<semaphore_mem>>) {add = true}
          %dma_wait3A_92 = arith.constant 0 : i32
          %dma_wait3A_93 = arith.constant 0 : i32
          %dma_wait3A_94 = tpu.memref_slice %arg9[%and3A_68, %dma_wait3A_92, %dma_wait3A_93] : memref<4x64x128xf32, #tpu.memory_space<vmem>> -> memref<1x64x128xf32, #tpu.memory_space<vmem>>
          %dma_wait3A_95 = tpu.memref_squeeze %dma_wait3A_94 : memref<1x64x128xf32, #tpu.memory_space<vmem>> -> memref<64x128xf32, #tpu.memory_space<vmem>>
          %dma_wait3A_96 = arith.constant 0 : i32
          %dma_wait3A_97 = tpu.memref_slice %arg8[%scan3A_67, %dma_wait3A_96] : memref<32x64xi32, #tpu.memory_space<vmem>> -> memref<1x64xi32, #tpu.memory_space<vmem>>
          %dma_wait3A_98 = tpu.memref_squeeze %dma_wait3A_97 : memref<1x64xi32, #tpu.memory_space<vmem>> -> memref<64xi32, #tpu.memory_space<vmem>>
          %dma_wait3A_99 = arith.constant 0 : i32
          %dma_wait3A_100 = arith.constant 0 : i32
          %dma_wait3A_101 = tpu.memref_slice %arg10[%dma_wait3A_99, %dma_wait3A_100] : memref<10240x128xf32, #tpu.memory_space<vmem_shared>> -> memref<10240x128xf32, #tpu.memory_space<vmem_shared>>
          tpu.wait_indirect_dma semaphore(%run_scoped3A : memref<!tpu.dma_semaphore, #tpu.memory_space<semaphore_mem>>) src(%dma_wait3A_95 : memref<64x128xf32, #tpu.memory_space<vmem>>) dst(%dma_wait3A_101 : memref<10240x128xf32, #tpu.memory_space<vmem_shared>>)
          tpu.yield
        }) : () -> ()
        %add3A_78 = arith.constant 4 : i32
        %add3A_79 = arith.addi %scan3A_67, %add3A_78 : i32
        %lt3A = arith.constant 32 : i32
        %lt3A_80 = arith.cmpi slt, %add3A_79, %lt3A : i32
        %convert_element_type3A = arith.extui %lt3A_80 : i1 to i32
        %cond3A = arith.constant 0 : i32
        %cond3A_81 = arith.cmpi ne, %convert_element_type3A, %cond3A : i32
        scf.if %cond3A_81 {
          %add3A_82 = arith.constant 4 : i32
          %add3A_83 = arith.addi %scan3A_67, %add3A_82 : i32
          %dma_start3A_84 = arith.constant 0 : i32
          %dma_start3A_85 = arith.constant 0 : i32
          %dma_start3A_86 = tpu.memref_slice %arg9[%and3A_68, %dma_start3A_84, %dma_start3A_85] : memref<4x64x128xf32, #tpu.memory_space<vmem>> -> memref<1x64x128xf32, #tpu.memory_space<vmem>>
          %dma_start3A_87 = tpu.memref_squeeze %dma_start3A_86 : memref<1x64x128xf32, #tpu.memory_space<vmem>> -> memref<64x128xf32, #tpu.memory_space<vmem>>
          %dma_start3A_88 = arith.constant 0 : i32
          %dma_start3A_89 = tpu.memref_slice %arg7[%add3A_83, %dma_start3A_88] : memref<32x64xi32, #tpu.memory_space<vmem>> -> memref<1x64xi32, #tpu.memory_space<vmem>>
          %dma_start3A_90 = tpu.memref_squeeze %dma_start3A_89 : memref<1x64xi32, #tpu.memory_space<vmem>> -> memref<64xi32, #tpu.memory_space<vmem>>
          %dma_start3A_91 = arith.constant 0 : i32
          %dma_start3A_92 = arith.constant 0 : i32
          %dma_start3A_93 = tpu.memref_slice %arg2[%dma_start3A_91, %dma_start3A_92] : memref<20480x128xf32, #tpu.memory_space<hbm>> -> memref<20480x128xf32, #tpu.memory_space<hbm>>
          tpu.enqueue_indirect_dma source(%dma_start3A_93 : memref<20480x128xf32, #tpu.memory_space<hbm>>) target(%dma_start3A_87 : memref<64x128xf32, #tpu.memory_space<vmem>>) offsets(%dma_start3A_90 : memref<64xi32, #tpu.memory_space<vmem>>) semaphore(%arg11 : memref<!tpu.dma_semaphore, #tpu.memory_space<semaphore_mem>>)
        } else {
        }
      }
      %scan3A_66 = arith.constant 32 : i32
    }
    %scan3A_5 = arith.constant 10 : i32
    %barrier3A_6 = arith.constant 0 : index
    tpu.barrier barrier_id(%barrier3A_6)
    %mul3A_7 = arith.constant 640 : i32
    %mul3A_8 = arith.muli %arg1, %mul3A_7 : i32
    %mul3A_9 = arith.constant 10240 : i32
    %mul3A_10 = arith.muli %arg0, %mul3A_9 : i32
    %mul3A_11 = arith.constant 640 : i32
    %mul3A_12 = arith.muli %arg1, %mul3A_11 : i32
    %add3A = arith.addi %mul3A_10, %mul3A_12 : i32
    "tpu.region"() ({
      %run_scoped3A = tpu.sem_alloc : memref<!tpu.dma_semaphore, #tpu.memory_space<semaphore_mem>>
      %dma_start3A = arith.constant 0 : i32
      %dma_start3A_13 = tpu.memref_slice %arg6[%add3A, %dma_start3A] : memref<20480x128xf32, #tpu.memory_space<hbm>> -> memref<640x128xf32, #tpu.memory_space<hbm>>
      %dma_start3A_14 = arith.constant 0 : i32
      %dma_start3A_15 = tpu.memref_slice %arg10[%mul3A_8, %dma_start3A_14] : memref<10240x128xf32, #tpu.memory_space<vmem_shared>> -> memref<640x128xf32, #tpu.memory_space<vmem_shared>>
      tpu.enqueue_dma source(%dma_start3A_15 : memref<640x128xf32, #tpu.memory_space<vmem_shared>>) target(%dma_start3A_13 : memref<640x128xf32, #tpu.memory_space<hbm>>) target_semaphore(%run_scoped3A : memref<!tpu.dma_semaphore, #tpu.memory_space<semaphore_mem>>)
      %dma_wait3A = arith.constant 0 : i32
      %dma_wait3A_16 = tpu.memref_slice %arg6[%add3A, %dma_wait3A] : memref<20480x128xf32, #tpu.memory_space<hbm>> -> memref<640x128xf32, #tpu.memory_space<hbm>>
      %dma_wait3A_17 = arith.constant 0 : i32
      %dma_wait3A_18 = tpu.memref_slice %arg10[%mul3A_8, %dma_wait3A_17] : memref<10240x128xf32, #tpu.memory_space<vmem_shared>> -> memref<640x128xf32, #tpu.memory_space<vmem_shared>>
      tpu.wait_dma2 semaphore(%run_scoped3A : memref<!tpu.dma_semaphore, #tpu.memory_space<semaphore_mem>>) src(%dma_wait3A_18 : memref<640x128xf32, #tpu.memory_space<vmem_shared>>) dst(%dma_wait3A_16 : memref<640x128xf32, #tpu.memory_space<hbm>>)
      tpu.yield
    }) : () -> ()
    return
  }
}

module attributes {stable_mosaic.version = 14 : i64} {
  func.func @_pre_body(%arg0: i32, %arg1: memref<1024x128xf32, #tpu.memory_space<vmem>>, %arg2: memref<16x128xf32, #tpu.memory_space<vmem>>, %arg3: memref<256x256xf32, #tpu.memory_space<vmem>>, %arg4: memref<256x256xf32, #tpu.memory_space<vmem>>, %arg5: memref<1x256xf32, #tpu.memory_space<vmem>>, %arg6: memref<1024x128xf32, #tpu.memory_space<vmem>>, %arg7: memref<1024x256xf32, #tpu.memory_space<vmem>>, %arg8: memref<2x1024x128xf32, #tpu.memory_space<vmem>>) attributes {dimension_semantics = [#tpu.dimension_semantics<arbitrary>], iteration_bounds = array<i64: 10>, scalar_prefetch = 0 : i64, scratch_operands = 0 : i64, tpu.core_type = #tpu.core_type<tc>, window_params = [{transform_indices = @transform_0, window_bounds = array<i64: 1024, 128>}, {pipeline_mode = #tpu.pipeline_mode<synchronous>, transform_indices = @transform_1, window_bounds = array<i64: 16, 128>}, {pipeline_mode = #tpu.pipeline_mode<synchronous>, transform_indices = @transform_2, window_bounds = array<i64: 256, 256>}, {pipeline_mode = #tpu.pipeline_mode<synchronous>, transform_indices = @transform_3, window_bounds = array<i64: 256, 256>}, {pipeline_mode = #tpu.pipeline_mode<synchronous>, transform_indices = @transform_4, window_bounds = array<i64: 1, 256>}, {transform_indices = @transform_5, window_bounds = array<i64: 1024, 128>}, {transform_indices = @transform_6, window_bounds = array<i64: 1024, 256>}, {transform_indices = @transform_7, window_bounds = array<i64: 2, 1024, 128>}]} {
    %get3A = arith.constant 0 : index
    %get3A_0 = arith.constant 0 : index
    %get3A_1 = vector.load %arg1[%get3A, %get3A_0] : memref<1024x128xf32, #tpu.memory_space<vmem>>, vector<1024x128xf32>
    %get3A_2 = arith.constant 0 : index
    %get3A_3 = arith.constant 0 : index
    %get3A_4 = vector.load %arg2[%get3A_2, %get3A_3] : memref<16x128xf32, #tpu.memory_space<vmem>>, vector<16x128xf32>
    %transpose3A = tpu.transpose %get3A_4, [1, 0] : vector<16x128xf32> -> vector<128x16xf32>
    %dot_general3A = arith.constant dense<0.000000e+00> : vector<1024x16xf32>
    %dot_general3A_5 = tpu.matmul %get3A_1, %transpose3A, %dot_general3A {dimension_numbers = #tpu.dot_dimension_numbers<[1], [0], [0], [1], [0, 0, 1, 1], [], []>, transpose_lhs_hint = false} : vector<1024x128xf32>, vector<128x16xf32>, vector<1024x16xf32> -> vector<1024x16xf32>
    %iota3A = tpu.iota {dimensions = array<i32: 1>} : vector<1024x16xi32>
    %lt3A = arith.constant 10 : i32
    %lt3A_6 = vector.broadcast %lt3A : i32 to vector<1024x16xi32>
    %lt3A_7 = arith.cmpi slt, %iota3A, %lt3A_6 : vector<1024x16xi32>
    %jit3A = arith.constant -1.000000e+30 : f32
    %broadcast_in_dim3A = vector.broadcast %jit3A : f32 to vector<1024x16xf32>
    %select_n3A = arith.select %lt3A_7, %dot_general3A_5, %broadcast_in_dim3A : vector<1024x16xi1>, vector<1024x16xf32>
    %reduce_max3A = arith.constant dense<0xFF800000> : vector<1024xf32>
    %reduce_max3A_8 = vector.multi_reduction <maximumf>, %select_n3A, %reduce_max3A [1] : vector<1024x16xf32> to vector<1024xf32>
    %broadcast_in_dim3A_9 = vector.shape_cast %reduce_max3A_8 : vector<1024xf32> to vector<1024x1xf32>
    %eq3A = vector.broadcast %broadcast_in_dim3A_9 : vector<1024x1xf32> to vector<1024x16xf32>
    %eq3A_10 = arith.cmpf oeq, %select_n3A, %eq3A : vector<1024x16xf32>
    %jit3A_11 = arith.constant 16 : i32
    %broadcast_in_dim3A_12 = vector.broadcast %jit3A_11 : i32 to vector<1024x16xi32>
    %select_n3A_13 = arith.select %eq3A_10, %iota3A, %broadcast_in_dim3A_12 : vector<1024x16xi1>, vector<1024x16xi32>
    %reduce_min3A = arith.constant dense<2147483647> : vector<1024xi32>
    %reduce_min3A_14 = vector.multi_reduction <minsi>, %select_n3A_13, %reduce_min3A [1] : vector<1024x16xi32> to vector<1024xi32>
    %broadcast_in_dim3A_15 = vector.shape_cast %reduce_min3A_14 : vector<1024xi32> to vector<1024x1xi32>
    %eq3A_16 = vector.broadcast %broadcast_in_dim3A_15 : vector<1024x1xi32> to vector<1024x16xi32>
    %eq3A_17 = arith.cmpi eq, %iota3A, %eq3A_16 : vector<1024x16xi32>
    %convert_element_type3A = arith.extui %eq3A_17 : vector<1024x16xi1> to vector<1024x16xi32>
    %convert_element_type3A_18 = arith.sitofp %convert_element_type3A : vector<1024x16xi32> to vector<1024x16xf32>
    %dot_general3A_19 = arith.constant dense<0.000000e+00> : vector<1024x128xf32>
    %dot_general3A_20 = tpu.matmul %convert_element_type3A_18, %get3A_4, %dot_general3A_19 {dimension_numbers = #tpu.dot_dimension_numbers<[1], [0], [0], [1], [0, 0, 1, 1], [], []>, transpose_lhs_hint = false} : vector<1024x16xf32>, vector<16x128xf32>, vector<1024x128xf32> -> vector<1024x128xf32>
    %concatenate3A = tpu.concatenate %get3A_1, %dot_general3A_20 in 1 : vector<1024x128xf32>, vector<1024x128xf32> -> vector<1024x256xf32>
    %swap3A = arith.constant 0 : index
    %swap3A_21 = arith.constant 0 : index
    %swap3A_22 = vector.load %arg6[%swap3A, %swap3A_21] : memref<1024x128xf32, #tpu.memory_space<vmem>>, vector<1024x128xf32>
    tpu.vector_store %arg6[%swap3A, %swap3A_21], %dot_general3A_20 {strides = array<i32>} : memref<1024x128xf32, #tpu.memory_space<vmem>>, vector<1024x128xf32>,
    %get3A_23 = arith.constant 0 : index
    %get3A_24 = arith.constant 0 : index
    %get3A_25 = vector.load %arg3[%get3A_23, %get3A_24] : memref<256x256xf32, #tpu.memory_space<vmem>>, vector<256x256xf32>
    %dot_general3A_26 = arith.constant dense<0.000000e+00> : vector<1024x256xf32>
    %dot_general3A_27 = tpu.matmul %concatenate3A, %get3A_25, %dot_general3A_26 {dimension_numbers = #tpu.dot_dimension_numbers<[1], [0], [0], [1], [0, 0, 1, 1], [], []>, transpose_lhs_hint = false} : vector<1024x256xf32>, vector<256x256xf32>, vector<1024x256xf32> -> vector<1024x256xf32>
    %get3A_28 = arith.constant 0 : index
    %get3A_29 = arith.constant 0 : index
    %get3A_30 = vector.load %arg5[%get3A_28, %get3A_29] : memref<1x256xf32, #tpu.memory_space<vmem>>, vector<1x256xf32>
    %add3A = vector.broadcast %get3A_30 : vector<1x256xf32> to vector<1024x256xf32>
    %add3A_31 = arith.addf %dot_general3A_27, %add3A : vector<1024x256xf32>
    %swap3A_32 = arith.constant 0 : index
    %swap3A_33 = arith.constant 0 : index
    %swap3A_34 = vector.load %arg7[%swap3A_32, %swap3A_33] : memref<1024x256xf32, #tpu.memory_space<vmem>>, vector<1024x256xf32>
    tpu.vector_store %arg7[%swap3A_32, %swap3A_33], %add3A_31 {strides = array<i32>} : memref<1024x256xf32, #tpu.memory_space<vmem>>, vector<1024x256xf32>,
    %get3A_35 = arith.constant 0 : index
    %get3A_36 = arith.constant 0 : index
    %get3A_37 = vector.load %arg4[%get3A_35, %get3A_36] : memref<256x256xf32, #tpu.memory_space<vmem>>, vector<256x256xf32>
    %dot_general3A_38 = arith.constant dense<0.000000e+00> : vector<1024x256xf32>
    %dot_general3A_39 = tpu.matmul %concatenate3A, %get3A_37, %dot_general3A_38 {dimension_numbers = #tpu.dot_dimension_numbers<[1], [0], [0], [1], [0, 0, 1, 1], [], []>, transpose_lhs_hint = false} : vector<1024x256xf32>, vector<256x256xf32>, vector<1024x256xf32> -> vector<1024x256xf32>
    %slice3A = vector.extract_strided_slice %dot_general3A_39 {offsets = [0, 0], sizes = [1024, 128], strides = [1, 1]} : vector<1024x256xf32> to vector<1024x128xf32>
    %swap3A_40 = arith.constant 0 : index
    %swap3A_41 = arith.constant 0 : index
    %swap3A_42 = arith.constant 0 : index
    %swap3A_43 = vector.load %arg8[%swap3A_40, %swap3A_41, %swap3A_42] : memref<2x1024x128xf32, #tpu.memory_space<vmem>>, vector<1x1024x128xf32>
    %swap3A_44 = vector.shape_cast %swap3A_43 : vector<1x1024x128xf32> to vector<1024x128xf32>
    %swap3A_45 = vector.shape_cast %slice3A : vector<1024x128xf32> to vector<1x1024x128xf32>
    tpu.vector_store %arg8[%swap3A_40, %swap3A_41, %swap3A_42], %swap3A_45 {strides = array<i32>} : memref<2x1024x128xf32, #tpu.memory_space<vmem>>, vector<1x1024x128xf32>,
    %slice3A_46 = vector.extract_strided_slice %dot_general3A_39 {offsets = [0, 128], sizes = [1024, 128], strides = [1, 1]} : vector<1024x256xf32> to vector<1024x128xf32>
    %swap3A_47 = arith.constant 1 : index
    %swap3A_48 = arith.constant 0 : index
    %swap3A_49 = arith.constant 0 : index
    %swap3A_50 = vector.load %arg8[%swap3A_47, %swap3A_48, %swap3A_49] : memref<2x1024x128xf32, #tpu.memory_space<vmem>>, vector<1x1024x128xf32>
    %swap3A_51 = vector.shape_cast %swap3A_50 : vector<1x1024x128xf32> to vector<1024x128xf32>
    %swap3A_52 = vector.shape_cast %slice3A_46 : vector<1024x128xf32> to vector<1x1024x128xf32>
    tpu.vector_store %arg8[%swap3A_47, %swap3A_48, %swap3A_49], %swap3A_52 {strides = array<i32>} : memref<2x1024x128xf32, #tpu.memory_space<vmem>>, vector<1x1024x128xf32>,
    return
  }
  func.func @transform_0(%arg0: i32) -> (i32, i32) {
    %c0_i32 = arith.constant 0 : i32
    %c0_i32_0 = arith.constant 0 : i32
    return %arg0, %c0_i32 : i32, i32
  }
  func.func @transform_1(%arg0: i32) -> (i32, i32) {
    %c0_i32 = arith.constant 0 : i32
    %c0_i32_0 = arith.constant 0 : i32
    %c0_i32_1 = arith.constant 0 : i32
    return %c0_i32, %c0_i32_0 : i32, i32
  }
  func.func @transform_2(%arg0: i32) -> (i32, i32) {
    %c0_i32 = arith.constant 0 : i32
    %c0_i32_0 = arith.constant 0 : i32
    %c0_i32_1 = arith.constant 0 : i32
    return %c0_i32, %c0_i32_0 : i32, i32
  }
  func.func @transform_3(%arg0: i32) -> (i32, i32) {
    %c0_i32 = arith.constant 0 : i32
    %c0_i32_0 = arith.constant 0 : i32
    %c0_i32_1 = arith.constant 0 : i32
    return %c0_i32, %c0_i32_0 : i32, i32
  }
  func.func @transform_4(%arg0: i32) -> (i32, i32) {
    %c0_i32 = arith.constant 0 : i32
    %c0_i32_0 = arith.constant 0 : i32
    %c0_i32_1 = arith.constant 0 : i32
    return %c0_i32, %c0_i32_0 : i32, i32
  }
  func.func @transform_5(%arg0: i32) -> (i32, i32) {
    %c0_i32 = arith.constant 0 : i32
    %c0_i32_0 = arith.constant 0 : i32
    return %arg0, %c0_i32 : i32, i32
  }
  func.func @transform_6(%arg0: i32) -> (i32, i32) {
    %c0_i32 = arith.constant 0 : i32
    %c0_i32_0 = arith.constant 0 : i32
    return %arg0, %c0_i32 : i32, i32
  }
  func.func @transform_7(%arg0: i32) -> (i32, i32, i32) {
    %c0_i32 = arith.constant 0 : i32
    %c0_i32_0 = arith.constant 0 : i32
    %c0_i32_1 = arith.constant 0 : i32
    return %c0_i32, %arg0, %c0_i32_0 : i32, i32, i32
  }
}

module attributes {stable_mosaic.version = 14 : i64} {
  func.func @_mid_body(%arg0: i32, %arg1: memref<1024x256xf32, #tpu.memory_space<vmem>>, %arg2: memref<2x1024x128xf32, #tpu.memory_space<vmem>>, %arg3: memref<1024x1xf32, #tpu.memory_space<vmem>>, %arg4: memref<256x256xf32, #tpu.memory_space<vmem>>, %arg5: memref<256x256xf32, #tpu.memory_space<vmem>>, %arg6: memref<1x256xf32, #tpu.memory_space<vmem>>, %arg7: memref<1024x256xf32, #tpu.memory_space<vmem>>, %arg8: memref<2x1024x128xf32, #tpu.memory_space<vmem>>) attributes {dimension_semantics = [#tpu.dimension_semantics<arbitrary>], iteration_bounds = array<i64: 10>, scalar_prefetch = 0 : i64, scratch_operands = 0 : i64, tpu.core_type = #tpu.core_type<tc>, window_params = [{transform_indices = @transform_0, window_bounds = array<i64: 1024, 256>}, {transform_indices = @transform_1, window_bounds = array<i64: 2, 1024, 128>}, {transform_indices = @transform_2, window_bounds = array<i64: 1024, 1>}, {pipeline_mode = #tpu.pipeline_mode<synchronous>, transform_indices = @transform_3, window_bounds = array<i64: 256, 256>}, {pipeline_mode = #tpu.pipeline_mode<synchronous>, transform_indices = @transform_4, window_bounds = array<i64: 256, 256>}, {pipeline_mode = #tpu.pipeline_mode<synchronous>, transform_indices = @transform_5, window_bounds = array<i64: 1, 256>}, {transform_indices = @transform_6, window_bounds = array<i64: 1024, 256>}, {transform_indices = @transform_7, window_bounds = array<i64: 2, 1024, 128>}]} {
    %get3A = arith.constant 0 : index
    %get3A_0 = arith.constant 0 : index
    %get3A_1 = vector.load %arg3[%get3A, %get3A_0] : memref<1024x1xf32, #tpu.memory_space<vmem>>, vector<1024x1xf32>
    %max3A = arith.constant 1.000000e+00 : f32
    %max3A_2 = vector.broadcast %max3A : f32 to vector<1024x1xf32>
    %max3A_3 = arith.maximumf %get3A_1, %max3A_2 : vector<1024x1xf32>
    %div3A = arith.constant 1.000000e+00 : f32
    %div3A_4 = vector.broadcast %div3A : f32 to vector<1024x1xf32>
    %div3A_5 = arith.divf %div3A_4, %max3A_3 : vector<1024x1xf32>
    %get3A_6 = arith.constant 0 : index
    %get3A_7 = arith.constant 0 : index
    %get3A_8 = arith.constant 0 : index
    %get3A_9 = vector.load %arg2[%get3A_6, %get3A_7, %get3A_8] : memref<2x1024x128xf32, #tpu.memory_space<vmem>>, vector<1x1024x128xf32>
    %get3A_10 = vector.shape_cast %get3A_9 : vector<1x1024x128xf32> to vector<1024x128xf32>
    %get3A_11 = arith.constant 1 : index
    %get3A_12 = arith.constant 0 : index
    %get3A_13 = arith.constant 0 : index
    %get3A_14 = vector.load %arg2[%get3A_11, %get3A_12, %get3A_13] : memref<2x1024x128xf32, #tpu.memory_space<vmem>>, vector<1x1024x128xf32>
    %get3A_15 = vector.shape_cast %get3A_14 : vector<1x1024x128xf32> to vector<1024x128xf32>
    %concatenate3A = tpu.concatenate %get3A_10, %get3A_15 in 1 : vector<1024x128xf32>, vector<1024x128xf32> -> vector<1024x256xf32>
    %mul3A = vector.broadcast %div3A_5 : vector<1024x1xf32> to vector<1024x256xf32>
    %mul3A_16 = arith.mulf %concatenate3A, %mul3A : vector<1024x256xf32>
    %get3A_17 = arith.constant 0 : index
    %get3A_18 = arith.constant 0 : index
    %get3A_19 = vector.load %arg1[%get3A_17, %get3A_18] : memref<1024x256xf32, #tpu.memory_space<vmem>>, vector<1024x256xf32>
    %add3A = arith.addf %get3A_19, %mul3A_16 : vector<1024x256xf32>
    %max3A_20 = arith.constant 0.000000e+00 : f32
    %max3A_21 = vector.broadcast %max3A_20 : f32 to vector<1024x256xf32>
    %max3A_22 = arith.maximumf %add3A, %max3A_21 : vector<1024x256xf32>
    %get3A_23 = arith.constant 0 : index
    %get3A_24 = arith.constant 0 : index
    %get3A_25 = vector.load %arg4[%get3A_23, %get3A_24] : memref<256x256xf32, #tpu.memory_space<vmem>>, vector<256x256xf32>
    %dot_general3A = arith.constant dense<0.000000e+00> : vector<1024x256xf32>
    %dot_general3A_26 = tpu.matmul %max3A_22, %get3A_25, %dot_general3A {dimension_numbers = #tpu.dot_dimension_numbers<[1], [0], [0], [1], [0, 0, 1, 1], [], []>, transpose_lhs_hint = false} : vector<1024x256xf32>, vector<256x256xf32>, vector<1024x256xf32> -> vector<1024x256xf32>
    %get3A_27 = arith.constant 0 : index
    %get3A_28 = arith.constant 0 : index
    %get3A_29 = vector.load %arg6[%get3A_27, %get3A_28] : memref<1x256xf32, #tpu.memory_space<vmem>>, vector<1x256xf32>
    %add3A_30 = vector.broadcast %get3A_29 : vector<1x256xf32> to vector<1024x256xf32>
    %add3A_31 = arith.addf %dot_general3A_26, %add3A_30 : vector<1024x256xf32>
    %swap3A = arith.constant 0 : index
    %swap3A_32 = arith.constant 0 : index
    %swap3A_33 = vector.load %arg7[%swap3A, %swap3A_32] : memref<1024x256xf32, #tpu.memory_space<vmem>>, vector<1024x256xf32>
    tpu.vector_store %arg7[%swap3A, %swap3A_32], %add3A_31 {strides = array<i32>} : memref<1024x256xf32, #tpu.memory_space<vmem>>, vector<1024x256xf32>,
    %get3A_34 = arith.constant 0 : index
    %get3A_35 = arith.constant 0 : index
    %get3A_36 = vector.load %arg5[%get3A_34, %get3A_35] : memref<256x256xf32, #tpu.memory_space<vmem>>, vector<256x256xf32>
    %dot_general3A_37 = arith.constant dense<0.000000e+00> : vector<1024x256xf32>
    %dot_general3A_38 = tpu.matmul %max3A_22, %get3A_36, %dot_general3A_37 {dimension_numbers = #tpu.dot_dimension_numbers<[1], [0], [0], [1], [0, 0, 1, 1], [], []>, transpose_lhs_hint = false} : vector<1024x256xf32>, vector<256x256xf32>, vector<1024x256xf32> -> vector<1024x256xf32>
    %slice3A = vector.extract_strided_slice %dot_general3A_38 {offsets = [0, 0], sizes = [1024, 128], strides = [1, 1]} : vector<1024x256xf32> to vector<1024x128xf32>
    %swap3A_39 = arith.constant 0 : index
    %swap3A_40 = arith.constant 0 : index
    %swap3A_41 = arith.constant 0 : index
    %swap3A_42 = vector.load %arg8[%swap3A_39, %swap3A_40, %swap3A_41] : memref<2x1024x128xf32, #tpu.memory_space<vmem>>, vector<1x1024x128xf32>
    %swap3A_43 = vector.shape_cast %swap3A_42 : vector<1x1024x128xf32> to vector<1024x128xf32>
    %swap3A_44 = vector.shape_cast %slice3A : vector<1024x128xf32> to vector<1x1024x128xf32>
    tpu.vector_store %arg8[%swap3A_39, %swap3A_40, %swap3A_41], %swap3A_44 {strides = array<i32>} : memref<2x1024x128xf32, #tpu.memory_space<vmem>>, vector<1x1024x128xf32>,
    %slice3A_45 = vector.extract_strided_slice %dot_general3A_38 {offsets = [0, 128], sizes = [1024, 128], strides = [1, 1]} : vector<1024x256xf32> to vector<1024x128xf32>
    %swap3A_46 = arith.constant 1 : index
    %swap3A_47 = arith.constant 0 : index
    %swap3A_48 = arith.constant 0 : index
    %swap3A_49 = vector.load %arg8[%swap3A_46, %swap3A_47, %swap3A_48] : memref<2x1024x128xf32, #tpu.memory_space<vmem>>, vector<1x1024x128xf32>
    %swap3A_50 = vector.shape_cast %swap3A_49 : vector<1x1024x128xf32> to vector<1024x128xf32>
    %swap3A_51 = vector.shape_cast %slice3A_45 : vector<1024x128xf32> to vector<1x1024x128xf32>
    tpu.vector_store %arg8[%swap3A_46, %swap3A_47, %swap3A_48], %swap3A_51 {strides = array<i32>} : memref<2x1024x128xf32, #tpu.memory_space<vmem>>, vector<1x1024x128xf32>,
    return
  }
  func.func @transform_0(%arg0: i32) -> (i32, i32) {
    %c0_i32 = arith.constant 0 : i32
    %c0_i32_0 = arith.constant 0 : i32
    return %arg0, %c0_i32 : i32, i32
  }
  func.func @transform_1(%arg0: i32) -> (i32, i32, i32) {
    %c0_i32 = arith.constant 0 : i32
    %c0_i32_0 = arith.constant 0 : i32
    %c0_i32_1 = arith.constant 0 : i32
    return %c0_i32, %arg0, %c0_i32_0 : i32, i32, i32
  }
  func.func @transform_2(%arg0: i32) -> (i32, i32) {
    %c0_i32 = arith.constant 0 : i32
    %c0_i32_0 = arith.constant 0 : i32
    return %arg0, %c0_i32 : i32, i32
  }
  func.func @transform_3(%arg0: i32) -> (i32, i32) {
    %c0_i32 = arith.constant 0 : i32
    %c0_i32_0 = arith.constant 0 : i32
    %c0_i32_1 = arith.constant 0 : i32
    return %c0_i32, %c0_i32_0 : i32, i32
  }
  func.func @transform_4(%arg0: i32) -> (i32, i32) {
    %c0_i32 = arith.constant 0 : i32
    %c0_i32_0 = arith.constant 0 : i32
    %c0_i32_1 = arith.constant 0 : i32
    return %c0_i32, %c0_i32_0 : i32, i32
  }
  func.func @transform_5(%arg0: i32) -> (i32, i32) {
    %c0_i32 = arith.constant 0 : i32
    %c0_i32_0 = arith.constant 0 : i32
    %c0_i32_1 = arith.constant 0 : i32
    return %c0_i32, %c0_i32_0 : i32, i32
  }
  func.func @transform_6(%arg0: i32) -> (i32, i32) {
    %c0_i32 = arith.constant 0 : i32
    %c0_i32_0 = arith.constant 0 : i32
    return %arg0, %c0_i32 : i32, i32
  }
  func.func @transform_7(%arg0: i32) -> (i32, i32, i32) {
    %c0_i32 = arith.constant 0 : i32
    %c0_i32_0 = arith.constant 0 : i32
    %c0_i32_1 = arith.constant 0 : i32
    return %c0_i32, %arg0, %c0_i32_0 : i32, i32, i32
  }
}

module attributes {stable_mosaic.version = 14 : i64} {
  func.func @_fin_body(%arg0: i32, %arg1: memref<1024x256xf32, #tpu.memory_space<vmem>>, %arg2: memref<2x1024x128xf32, #tpu.memory_space<vmem>>, %arg3: memref<1024x1xf32, #tpu.memory_space<vmem>>, %arg4: memref<1024x128xf32, #tpu.memory_space<vmem>>, %arg5: memref<256x16xf32, #tpu.memory_space<vmem>>, %arg6: memref<128x16xf32, #tpu.memory_space<vmem>>, %arg7: memref<1024x16xf32, #tpu.memory_space<vmem>>) attributes {dimension_semantics = [#tpu.dimension_semantics<arbitrary>], iteration_bounds = array<i64: 10>, scalar_prefetch = 0 : i64, scratch_operands = 0 : i64, tpu.core_type = #tpu.core_type<tc>, window_params = [{transform_indices = @transform_0, window_bounds = array<i64: 1024, 256>}, {transform_indices = @transform_1, window_bounds = array<i64: 2, 1024, 128>}, {transform_indices = @transform_2, window_bounds = array<i64: 1024, 1>}, {transform_indices = @transform_3, window_bounds = array<i64: 1024, 128>}, {pipeline_mode = #tpu.pipeline_mode<synchronous>, transform_indices = @transform_4, window_bounds = array<i64: 256, 16>}, {pipeline_mode = #tpu.pipeline_mode<synchronous>, transform_indices = @transform_5, window_bounds = array<i64: 128, 16>}, {transform_indices = @transform_6, window_bounds = array<i64: 1024, 16>}]} {
    %get3A = arith.constant 0 : index
    %get3A_0 = arith.constant 0 : index
    %get3A_1 = vector.load %arg3[%get3A, %get3A_0] : memref<1024x1xf32, #tpu.memory_space<vmem>>, vector<1024x1xf32>
    %max3A = arith.constant 1.000000e+00 : f32
    %max3A_2 = vector.broadcast %max3A : f32 to vector<1024x1xf32>
    %max3A_3 = arith.maximumf %get3A_1, %max3A_2 : vector<1024x1xf32>
    %div3A = arith.constant 1.000000e+00 : f32
    %div3A_4 = vector.broadcast %div3A : f32 to vector<1024x1xf32>
    %div3A_5 = arith.divf %div3A_4, %max3A_3 : vector<1024x1xf32>
    %get3A_6 = arith.constant 0 : index
    %get3A_7 = arith.constant 0 : index
    %get3A_8 = arith.constant 0 : index
    %get3A_9 = vector.load %arg2[%get3A_6, %get3A_7, %get3A_8] : memref<2x1024x128xf32, #tpu.memory_space<vmem>>, vector<1x1024x128xf32>
    %get3A_10 = vector.shape_cast %get3A_9 : vector<1x1024x128xf32> to vector<1024x128xf32>
    %get3A_11 = arith.constant 1 : index
    %get3A_12 = arith.constant 0 : index
    %get3A_13 = arith.constant 0 : index
    %get3A_14 = vector.load %arg2[%get3A_11, %get3A_12, %get3A_13] : memref<2x1024x128xf32, #tpu.memory_space<vmem>>, vector<1x1024x128xf32>
    %get3A_15 = vector.shape_cast %get3A_14 : vector<1x1024x128xf32> to vector<1024x128xf32>
    %concatenate3A = tpu.concatenate %get3A_10, %get3A_15 in 1 : vector<1024x128xf32>, vector<1024x128xf32> -> vector<1024x256xf32>
    %mul3A = vector.broadcast %div3A_5 : vector<1024x1xf32> to vector<1024x256xf32>
    %mul3A_16 = arith.mulf %concatenate3A, %mul3A : vector<1024x256xf32>
    %get3A_17 = arith.constant 0 : index
    %get3A_18 = arith.constant 0 : index
    %get3A_19 = vector.load %arg1[%get3A_17, %get3A_18] : memref<1024x256xf32, #tpu.memory_space<vmem>>, vector<1024x256xf32>
    %add3A = arith.addf %get3A_19, %mul3A_16 : vector<1024x256xf32>
    %max3A_20 = arith.constant 0.000000e+00 : f32
    %max3A_21 = vector.broadcast %max3A_20 : f32 to vector<1024x256xf32>
    %max3A_22 = arith.maximumf %add3A, %max3A_21 : vector<1024x256xf32>
    %get3A_23 = arith.constant 0 : index
    %get3A_24 = arith.constant 0 : index
    %get3A_25 = vector.load %arg4[%get3A_23, %get3A_24] : memref<1024x128xf32, #tpu.memory_space<vmem>>, vector<1024x128xf32>
    %max3A_26 = arith.constant 0.000000e+00 : f32
    %max3A_27 = vector.broadcast %max3A_26 : f32 to vector<1024x128xf32>
    %max3A_28 = arith.maximumf %get3A_25, %max3A_27 : vector<1024x128xf32>
    %get3A_29 = arith.constant 0 : index
    %get3A_30 = arith.constant 0 : index
    %get3A_31 = vector.load %arg5[%get3A_29, %get3A_30] : memref<256x16xf32, #tpu.memory_space<vmem>>, vector<256x16xf32>
    %dot_general3A = arith.constant dense<0.000000e+00> : vector<1024x16xf32>
    %dot_general3A_32 = tpu.matmul %max3A_22, %get3A_31, %dot_general3A {dimension_numbers = #tpu.dot_dimension_numbers<[1], [0], [0], [1], [0, 0, 1, 1], [], []>, transpose_lhs_hint = false} : vector<1024x256xf32>, vector<256x16xf32>, vector<1024x16xf32> -> vector<1024x16xf32>
    %get3A_33 = arith.constant 0 : index
    %get3A_34 = arith.constant 0 : index
    %get3A_35 = vector.load %arg6[%get3A_33, %get3A_34] : memref<128x16xf32, #tpu.memory_space<vmem>>, vector<128x16xf32>
    %dot_general3A_36 = arith.constant dense<0.000000e+00> : vector<1024x16xf32>
    %dot_general3A_37 = tpu.matmul %max3A_28, %get3A_35, %dot_general3A_36 {dimension_numbers = #tpu.dot_dimension_numbers<[1], [0], [0], [1], [0, 0, 1, 1], [], []>, transpose_lhs_hint = false} : vector<1024x128xf32>, vector<128x16xf32>, vector<1024x16xf32> -> vector<1024x16xf32>
    %add3A_38 = arith.addf %dot_general3A_32, %dot_general3A_37 : vector<1024x16xf32>
    %swap3A = arith.constant 0 : index
    %swap3A_39 = arith.constant 0 : index
    %swap3A_40 = vector.load %arg7[%swap3A, %swap3A_39] : memref<1024x16xf32, #tpu.memory_space<vmem>>, vector<1024x16xf32>
    tpu.vector_store %arg7[%swap3A, %swap3A_39], %add3A_38 {strides = array<i32>} : memref<1024x16xf32, #tpu.memory_space<vmem>>, vector<1024x16xf32>,
    return
  }
  func.func @transform_0(%arg0: i32) -> (i32, i32) {
    %c0_i32 = arith.constant 0 : i32
    %c0_i32_0 = arith.constant 0 : i32
    return %arg0, %c0_i32 : i32, i32
  }
  func.func @transform_1(%arg0: i32) -> (i32, i32, i32) {
    %c0_i32 = arith.constant 0 : i32
    %c0_i32_0 = arith.constant 0 : i32
    %c0_i32_1 = arith.constant 0 : i32
    return %c0_i32, %arg0, %c0_i32_0 : i32, i32, i32
  }
  func.func @transform_2(%arg0: i32) -> (i32, i32) {
    %c0_i32 = arith.constant 0 : i32
    %c0_i32_0 = arith.constant 0 : i32
    return %arg0, %c0_i32 : i32, i32
  }
  func.func @transform_3(%arg0: i32) -> (i32, i32) {
    %c0_i32 = arith.constant 0 : i32
    %c0_i32_0 = arith.constant 0 : i32
    return %arg0, %c0_i32 : i32, i32
  }
  func.func @transform_4(%arg0: i32) -> (i32, i32) {
    %c0_i32 = arith.constant 0 : i32
    %c0_i32_0 = arith.constant 0 : i32
    %c0_i32_1 = arith.constant 0 : i32
    return %c0_i32, %c0_i32_0 : i32, i32
  }
  func.func @transform_5(%arg0: i32) -> (i32, i32) {
    %c0_i32 = arith.constant 0 : i32
    %c0_i32_0 = arith.constant 0 : i32
    %c0_i32_1 = arith.constant 0 : i32
    return %c0_i32, %c0_i32_0 : i32, i32
  }
  func.func @transform_6(%arg0: i32) -> (i32, i32) {
    %c0_i32 = arith.constant 0 : i32
    %c0_i32_0 = arith.constant 0 : i32
    return %arg0, %c0_i32 : i32, i32
  }
}

</mosaic_0001>

<sc_bundles>
// kernel: kernel.12.cloned.1.call-start
scs
__scs_entry_jumppad:
0x0: {  	(pc) =	sbr.rel $0x88, $3  }
0x1: {  	(tag) =	ssettag $0x0;
	lr =	simm.s32 $0x1  }
0x2: {  	[smem:$0x3F94] =	sst lr;
	_ =	strace $0xD0000000  }
0x3: {  	_ = 	snop  }
0x4: {  	_ = 	snop  }
0x5: {  	_ = 	snop  }
0x6: {  	_ = 	snop  }
0x7: {  	_ = 	snop  }
__scs_overlays_trampoline_lowered:
0x8: {  	[smem:$0x3FA3] =	sst s0  }
0x9: {  	[smem:$0x3FA4] =	sst s1  }
0xa: {  	[smem:$0x3FA5] =	sst s2  }
0xb: {  	[smem:$0x3FA6] =	sst s3  }
0xc: {  	[smem:$0x3FA7] =	sst s4  }
0xd: {  	[smem:$0x3FA8] =	sst s5  }
0xe: {  	[smem:$0x3FA9] =	sst s6  }
0xf: {  	[smem:$0x3FAA] =	sst s7  }
0x10: {  	[smem:$0x3FAB] =	sst s8  }
0x11: {  	[smem:$0x3FAC] =	sst s9;
	s0 =	simm.s32 @!p0 $0x0  }
0x12: {  	s1 =	sld [smem:$0x3F92];
	s0 =	simm.s32 @p0 $0x1  }
0x13: {  	[smem:$0x3FAD] =	sst s0;
	s0 =	simm.s32 @!p1 $0x0  }
0x14: {  	s2 =	sld [smem:$0x3F91];
	s0 =	simm.s32 @p1 $0x1  }
0x15: {  	[smem:$0x3FAE] =	sst s0;
	s0 =	simm.s32 @!p2 $0x0  }
0x16: {  	s3 =	sld [smem:$0x3FDB];
	s0 =	simm.s32 @p2 $0x1  }
0x17: {  	s4 =	simm.s32 $0x1BF5;
	[smem:$0x3FB0] =	sst s0  }
0x18: {  	s0 =	sld [smem:$0x3F93];
	_ =	swait.ge [sflag:s4], $0x0  }
0x19: {  	s7 =	sld [smem:$0x3F94]  }
0x1a: {  	s8 =	sadd.s32 $0xFFFFE003, lr  }
0x1b: {  	s9 =	sadd.s32 $0xFFFFFEF7, lr;
	s5 =	simm.s32 $0xFFFFFFFF;
	p2 =	slt.u32 s8, $0xFFFFF086  }
0x1c: {  	p1 =	slt.u32 s9, $0xF7A;
	s5 =	simm.s32 @!p2 $0x0  }
0x1d: {  	s5 =	simm.s32 @p1 $0x1;
	p0 =	seq.s32 s7, s2  }
0x1e: {  	s7 =	smul.u32 @!p0 $0xF7A, s2;
	p2 =	seq.s32 @!p0 s5, $0x0  }
0x1f: {  	s9 =	smul.u32 $0xF7A, s1;
	s8 =	simm.s32 @!p0 $0x1BF5;
	p2 =	por !p2, p0  }
0x20: {  	[sflag:s8] =	ssyncset.s32 @!p0 $0xFFFFF086;
	s6 =	sadd.s32 @!p0 s3, s7;
	s7 =	simm.s32 @!p0 $0x108  }
0x21: {  	s3 =	sadd.s32 s3, s9;
	s6 =	sadd.s32 @!p0 $0x88, s6;
	s7 =	simm.s32 @p2 $0x1082  }
0x22: {  	[simem:s7], [sflag:s8] =	dma.local @!p0 [hbm:s6], $0xF7A  }
0x23: {  	s9 =	sor.u32 $0xD0000000, s2;
	s6 =	simm.s32 $0x108;
	_ =	swait.ge @!p0 [sflag:s8], $0x0  }
0x24: {  	s3 =	sadd.s32 $0x88, s3;
	s6 =	simm.s32 @!p1 $0x1082;
	[sflag:s4] =	ssyncset.s32 $0xFFFFF086  }
0x25: {  	[simem:s6], [sflag:s4] =	dma.local [hbm:s3], $0xF7A  }
0x26: {  	[smem:$0x3F94] =	sst s1;
	(tag) =	ssettag s2;
	_ =	strace s9  }
0x27: {  	s1 =	sld [smem:$0x3FA4]  }
0x28: {  	s2 =	sld [smem:$0x3FA5]  }
0x29: {  	s4 =	sld [smem:$0x3FA7]  }
0x2a: {  	p0 =	seq.s32 s5, $0x0;
	s5 =	sld [smem:$0x3FA8]  }
0x2b: {  	s6 =	sld [smem:$0x3FA9]  }
0x2c: {  	s7 =	sld [smem:$0x3FAA]  }
0x2d: {  	s3 =	simm.s32 $0x108;
	s8 =	sld [smem:$0x3FAB]  }
0x2e: {  	s3 =	simm.s32 @!p0 $0x1082;
	s9 =	sld [smem:$0x3FAC]  }
0x2f: {  	lr =	sadd.s32 s0, s3;
	s0 =	sld [smem:$0x3FA3]  }
0x30: {  	s3 =	sld [smem:$0x3FA6]  }
0x31: {  	[smem:$0x3FAF] =	sst s10  }
0x32: {  	s10 =	sld [smem:$0x3FAD];
	_ =	sdelay $0x3  }
0x33: {  	p0 =	seq.s32 s10, $0x1;
	s10 =	sld [smem:$0x3FAF];
	_ =	sdelay $0x3  }
0x34: {  	[smem:$0x3FAF] =	sst s10  }
0x35: {  	s10 =	sld [smem:$0x3FAE];
	_ =	sdelay $0x3  }
0x36: {  	p1 =	seq.s32 s10, $0x1;
	s10 =	sld [smem:$0x3FAF];
	_ =	sdelay $0x3  }
0x37: {  	[smem:$0x3FAF] =	sst s10  }
0x38: {  	s10 =	sld [smem:$0x3FB0]  }
0x39: {  	_ = 	snop;
	(pc) =	sbr.ind lr, $3  }
0x3a: {  	_ = 	snop  }
0x3b: {  	_ = 	snop  }
0x3c: {  	p2 =	seq.s32 s10, $0x1;
	s10 =	sld [smem:$0x3FAF]  }
0x3d: {  	_ =	shalt  }
0x3e: {  	_ =	shalt  }
0x3f: {  	_ =	shalt  }
0x40: {  	_ =	shalt  }
0x41: {  	_ =	shalt  }
0x42: {  	_ =	shalt  }
0x43: {  	_ =	shalt  }
0x44: {  	_ =	shalt  }
0x45: {  	_ =	shalt  }
0x46: {  	_ =	shalt  }
0x47: {  	_ =	shalt  }
0x48: {  	_ =	shalt  }
0x49: {  	_ =	shalt  }
0x4a: {  	_ =	shalt  }
0x4b: {  	_ =	shalt  }
0x4c: {  	_ =	shalt  }
0x4d: {  	_ =	shalt  }
0x4e: {  	_ =	shalt  }
0x4f: {  	_ =	shalt  }
0x50: {  	_ =	shalt  }
0x51: {  	_ =	shalt  }
0x52: {  	_ =	shalt  }
0x53: {  	_ =	shalt  }
0x54: {  	_ =	shalt  }
0x55: {  	_ =	shalt  }
0x56: {  	_ =	shalt  }
0x57: {  	_ =	shalt  }
0x58: {  	_ =	shalt  }
0x59: {  	_ =	shalt  }
0x5a: {  	_ =	shalt  }
0x5b: {  	_ =	shalt  }
0x5c: {  	_ =	shalt  }
0x5d: {  	_ =	shalt  }
0x5e: {  	_ =	shalt  }
0x5f: {  	_ =	shalt  }
0x60: {  	_ =	shalt  }
0x61: {  	_ =	shalt  }
0x62: {  	_ =	shalt  }
0x63: {  	_ =	shalt  }
0x64: {  	_ =	shalt  }
0x65: {  	_ =	shalt  }
0x66: {  	_ =	shalt  }
0x67: {  	_ =	shalt  }
0x68: {  	_ =	shalt  }
0x69: {  	_ =	shalt  }
0x6a: {  	_ =	shalt  }
0x6b: {  	_ =	shalt  }
0x6c: {  	_ =	shalt  }
0x6d: {  	_ =	shalt  }
0x6e: {  	_ =	shalt  }
0x6f: {  	_ =	shalt  }
0x70: {  	_ =	shalt  }
0x71: {  	_ =	shalt  }
0x72: {  	_ =	shalt  }
0x73: {  	_ =	shalt  }
0x74: {  	_ =	shalt  }
0x75: {  	_ =	shalt  }
0x76: {  	_ =	shalt  }
0x77: {  	_ =	shalt  }
0x78: {  	_ =	shalt  }
0x79: {  	_ =	shalt  }
0x7a: {  	_ =	shalt  }
0x7b: {  	_ =	shalt  }
0x7c: {  	_ =	shalt  }
0x7d: {  	_ =	shalt  }
0x7e: {  	_ =	shalt  }
0x7f: {  	_ =	shalt  }
0x80: {  	_ =	shalt  }
0x81: {  	_ =	shalt  }
0x82: {  	_ =	shalt  }
0x83: {  	_ =	shalt  }
0x84: {  	_ =	shalt  }
0x85: {  	_ =	shalt  }
0x86: {  	_ =	shalt  }
0x87: {  	_ =	shalt  }
.Lfunc_end0:
.L_simem_size_0:
called_computation.1_lowered:
.L_overlay_start_0:
0x88: {  	s2 =	sld [smem:$0x3FD9]  }
0x89: {  	s3 =	sld [smem:$0x3FFE];
	_ =	sdelay $0x1  }
0x8a: {  	s1 =	srdreg.scid  }
0x8b: {  	s0 =	sand.u32 $0x1, s1  }
0x8c: {  	s17 =	sshll.u32 s0, $0xA;
	s2 =	sadd.s32 s3, s2  }
0x8d: {  	s2 =	sadd.s32 s2, s17  }
0x8e: {  	[smem:$0x3FBB] =	sst s2  }
0x8f: {  	_ = 	snop  }
0x90: {  	s2 =	sld [smem:$0x3FD0];
	(tm) =	ssettm $0x1  }
0x91: {  	s18 =	sld [smem:$0x3FFB];
	_ =	sdelay $0x3  }
0x92: {  	_ =	strace s18  }
0x93: {  	s3 =	sld [smem:$0x3FFC];
	_ =	sdelay $0x3  }
0x94: {  	_ =	strace s3  }
0x95: {  	s3 =	sld [smem:$0x3FFD];
	_ =	sdelay $0x3  }
0x96: {  	_ =	strace s3  }
0x97: {  	_ =	strace $0x8FFFFFFF  }
0x98: {  	s19 =	sld [smem:$0x3FDB];
	_ =	sdelay $0x1  }
0x99: {  	s4 =	simm.s32 $_scs_section_size  }
0x9a: {  	s5 =	simm.s32 $_size__tile_overlayer_lowered;
	s6 =	simm.s32 $_tile_overlayer_lowered  }
0x9b: {  	s22 =	simm.s32 $0x1BFF;
	s21 =	sshll.u32 s6, $0x1;
	s3 =	sadd.s32 s4, s19  }
0x9c: {  	s7 =	simm.s32 $0x0;
	s20 =	sshll.u32 s5, $0x1;
	s5 =	sadd.s32 s21, s3  }
0x9d: {  	[timem:s7], [sflag:s22] =	dma.local [hbm:s5], s20  }
0x9e: {  	_ =	swait.ge [sflag:s22], s20  }
0x9f: {  	s4 =	ssub.s32 $0x0, s20;
	[sflag:s22] =	ssyncset.done $0x0  }
0xa0: {  	[sflag:s22] =	ssyncadd.s32 s4;
	_ =	sdelay $0x1  }
0xa1: {  	s23 =	simm.s32 $0x1B8B  }
0xa2: {  	_ =	swait.ge [sflag:s23], $0x1  }
0xa3: {  	[sflag:s23] =	ssyncset.done $0x0  }
0xa4: {  	s25 =	simm.s32 $0x1B8E;
	s24 =	sld [smem:$0x3FFE];
	[sflag:s23] =	ssyncadd.s32 $0xFFFFFFFF  }
0xa5: {  	s26 =	simm.s32 $execute0_lowered;
	[smem:$0x3FD2] =	sst s25  }
0xa6: {  	s5 =	sshll.u32 s26, $0x1;
	_ =	strace $0x80000049;
	[dreg:$0x1] =	wrdreg $0xFFFFFFFF  }
0xa7: {  	s28 =	simm.s32 $_size_execute0_lowered;
	s3 =	sadd.s32 s3, s5;
	[dreg:$0x0] =	wrdreg $0x0  }
0xa8: {  	s5 =	sshll.u32 s28, $0x1;
	[dreg:$0x2] =	wrdreg s3  }
0xa9: {  	[dreg:$0x3] =	wrdreg s5  }
0xaa: {  	[dreg:$0x4] =	wrdreg $0xC0  }
0xab: {  	_ =	task [dreg:s7], $0x5FFFF  }
0xac: {  	[dreg:$0x1] =	wrdreg $0xFFFFFFFF  }
0xad: {  	[dreg:$0x0] =	wrdreg $0x60  }
0xae: {  	[dreg:$0x2] =	wrdreg s24  }
0xaf: {  	[dreg:$0x3] =	wrdreg s2  }
0xb0: {  	[dreg:$0x4] =	wrdreg $0xA0000  }
0xb1: {  	[dreg:$0x5] =	wrdreg $0x9  }
0xb2: {  	_ =	task.clear_ibuf [dreg:s7], $0x6FFFF;
	_ =	strace $0x90000049  }
0xb3: {  	s29 =	simm.s32 $0x9;
	_ =	strace $0x8000004B  }
0xb4: {  	_ =	swait.ge [sflag:s29], $0x1  }
0xb5: {  	[sflag:s29] =	ssyncadd.s32 $0xFFFFFFFF  }
0xb6: {  	_ =	strace $0x9000004B  }
0xb7: {  	_ =	sfence  }
0xb8: {  	s30 =	sld [smem:$0x0];
	_ =	sdelay $0x2  }
0xb9: {  	s31 =	sshll.u32 s1, $0xD;
	s1 =	sshrl.u32 s1, $0x2  }
0xba: {  	s3 =	sand.u32 $0x4000, s31;
	s1 =	sadd.s32 s1, s30  }
0xbb: {  	s0 =	sor.u32 s3, s0;
	s1 =	sshll.u32 s1, $0x11  }
0xbc: {  	s0 =	sor.u32 s1, s0  }
0xbd: {  	s0 =	sadd.s32 $0x8F2B, s0  }
0xbe: {  	[sflag:s0] =	ssyncadd.remote.s32 $0x1  }
0xbf: {  	_ =	sfence.sel $0xFFFF  }
0xc0: {  	[dreg:$0x0] =	wrdreg $0xFFFFFFFF;
	(pc) =	sbr.abs _section_cstart, $3  }
0xc1: {  	[dreg:$0x1] =	wrdreg $0xFFFFFFFF  }
0xc2: {  	_ =	task.clear_ibuf [dreg:s7], $0x2FFFF;
	_ =	strace $0x9FFFFFFF  }
0xc3: {  	(tm) =	ssettm $0x7FFFFFFF  }
tec
execute0_lowered:
.L_overlay_start_1:
0x0: {  	(tag) =	ssettag $0x1  }
0x1: {  	s6 =	rddreg [dreg:$0x0]  }
0x2: {  	s1 =	rddreg [dreg:$0x1]  }
0x3: {  	s2 =	rddreg [dreg:$0x2];
	s3 =	srdreg.scid  }
0x4: {  	s0 =	rddreg [dreg:$0x3];
	s4 =	simm.s32 $0x0;
	s15 =	simm.s32 $0x80  }
0x5: {  	s16 =	simm.s32 $0x4000;
	s17 =	simm.s32 $0x100;
	s7 =	sand.u32 $0x1, s3  }
0x6: {  	s18 =	simm.s32 $0x6000;
	s3 =	stileid.u32;
	s8 =	smul.u32 $0x14000, s7  }
0x7: {  	s19 =	simm.s32 $0x180;
	s20 =	simm.s32 $0x8000;
	s9 =	smul.u32 $0x2800, s3  }
0x8: {  	s21 =	simm.s32 $0x1;
	[smem:$0x7FF] =	sst s4;
	s10 =	smul.u32 $0x28000, s7  }
0x9: {  	s5 =	sadd.s32 $0x3EC00, s6;
	_ =	strace $0x8000004A;
	s12 =	smul.u32 $0x1400, s3  }
0xa: {  	s7 =	ssub.s32 $0x2, s7;
	s28 =	smul.u32 $0x50000, s3;
	s31 =	sshll.u32 s3, $0x6  }
0xb: {  	s29 =	sshrl.u32 s7, $0x1;
	s8 =	sadd.s32 s8, s6;
	s9 =	sadd.s32 s9, s10  }
0xc: {  	s11 =	sadd.s32 s12, s6;
	s13 =	ssub.s32 s7, s29;
	s30 =	sshrl.u32 s28, $0x2  }
0xd: {  	s9 =	sadd.s32 s9, s6;
	s10 =	sadd.s32 s30, s2;
	s6 =	sor.u32 $0x1C02, s31  }
0xe: {  	s14 =	sadd.s32 $0x2C00, s8;
	s7 =	sadd.s32 $0x2AC00, s11;
	s11 =	simm.s32 $0x2  }
0xf: {  	s8 =	sadd.s32 $0xDEC00, s9;
	s9 =	smax.u32 s13, $0x1;
	s10 =	sshrl.u32 s10, $0x3  }
0x10: {  	s12 =	sadd.s32 s12, s14;
	s13 =	simm.s32 $0x40;
	s14 =	simm.s32 $0x2000  }
.LBB2_1:
0x11: {  	[spmem:s10], [sflag:s6] =	dma.local [hbm:s1], $0x2800  }
0x12: {  	_ =	swait.ge [sflag:s11], $0x2800  }
0x13: {  	[sflag:s11] =	ssyncset.done $0x0  }
0x14: {  	[sflag:s11] =	ssyncadd.s32 $0xFFFFD800  }
0x15: {  	s22 =	simm.s32 $0x0;
	[bflag:$0x0] =	sbarrier.arrive $0xFFFF  }
.LBB2_2:
0x16: {  	s23 =	sshll.u32 s22, $0x9  }
0x17: {  	s25 =	simm.s32 $0x0;
	s24 =	sadd.s32 s23, s12  }
0x18: {  	[tilespmem:s25], [sflag:$0x2] =	stream.linear.gather [hbm4b:s24+s25], $0x1000, $0x38;
	[tilespmem:$0x1E000] =	vst v63  }
0x19: {  	_ =	swait.ge [sflag:s11], $0x1000  }
0x1a: {  	[sflag:s11] =	ssyncset.done $0x0  }
0x1b: {  	s23 =	sadd.s32 s23, s7;
	s24 =	simm.s32 $0x1000;
	[sflag:s11] =	ssyncadd.s32 $0xFFFFF000  }
0x1c: {  	[tilespmem:s24], [sflag:$0x2] =	stream.linear.gather [hbm4b:s23+s25], $0x1000, $0x38;
	[tilespmem:$0x1E000] =	vst v63  }
0x1d: {  	_ =	swait.ge [sflag:s11], $0x1000  }
0x1e: {  	[sflag:s11] =	ssyncset.done $0x0  }
0x1f: {  	[sflag:s11] =	ssyncadd.s32 $0xFFFFF000  }
0x20: {  	[tilespmem:s14], [sflag:$0x1] =	stream.indirect.gather [hbm4b:s5+s13], $0x80, s25, s13, $0xb8;
	[tilespmem:$0x1E000] =	vst v63  }
0x21: {  	_ = 	snop  }
0x22: {  	[tilespmem:s16], [sflag:$0x1] =	stream.indirect.gather [hbm4b:s5+s13], $0x80, s15, s13, $0xb8;
	[tilespmem:$0x1E000] =	vst v63  }
0x23: {  	_ = 	snop  }
0x24: {  	[tilespmem:s18], [sflag:$0x1] =	stream.indirect.gather [hbm4b:s5+s13], $0x80, s17, s13, $0xb8;
	[tilespmem:$0x1E000] =	vst v63  }
0x25: {  	_ = 	snop  }
0x26: {  	[tilespmem:s20], [sflag:$0x1] =	stream.indirect.gather [hbm4b:s5+s13], $0x80, s19, s13, $0xb8;
	[tilespmem:$0x1E000] =	vst v63  }
0x27: {  	_ =	swait.ge [sflag:s21], $0x2000  }
0x28: {  	s31 =	sand.u32 $0x6000, s25;
	[sflag:s21] =	ssyncset.done $0x0  }
0x29: {  	s29 =	simm.s32 $0x200;
	s26 =	sadd.s32 $0x2000, s31;
	[sflag:s21] =	ssyncadd.s32 $0xFFFFE000  }
0x2a: {  	[spmem:s2] =	stream.indirect.scatter.add.f32 [tilespmem:s26], [sflag:$0x2], $0x80, s24, s13, $0xb8;
	[tilespmem:$0x1E000] =	vst v63  }
0x2b: {  	p1 =	por $0x0, $0x0;
	s28 =	simm.s32 $0x280;
	_ =	swait.ge [sflag:s11], $0x2000  }
0x2c: {  	s30 =	simm.s32 @!p1 $0x40;
	s23 =	simm.s32 $0x1;
	[sflag:s11] =	ssyncset.done $0x0  }
0x2d: {  	s25 =	simm.s32 $0x1080;
	s24 =	simm.s32 $0x2000;
	[sflag:s11] =	ssyncadd.s32 $0xFFFFE000  }
.LBB2_3:
0x2e: {  	[tilespmem:s26], [sflag:$0x1] =	stream.indirect.gather @!p1 [hbm4b:s5+s30], $0x80, s29, s30, $0xb8;
	[tilespmem:$0x1E000] =	vst v63  }
0x2f: {  	s30 =	smov.u32 s23;
	s23 =	sadd.s32 $0x1, s23;
	_ =	swait.ge [sflag:s21], $0x2000  }
0x30: {  	s26 =	sand.u32 $0x6000, s24;
	p0 =	sne.s32 s23, $0x20;
	[sflag:s21] =	ssyncset.done $0x0  }
.Ltmp0:
0x31: {  	s26 =	sadd.s32 $0x2000, s26;
	[sflag:s21] =	ssyncadd.s32 $0xFFFFE000;
	(pc) =	sbr.rel @p0 .LBB2_3-.Ltmp0, $4  }
0x32: {  	[spmem:s2] =	stream.indirect.scatter.add.f32 [tilespmem:s26], [sflag:$0x2], $0x80, s25, s13, $0xb8;
	[tilespmem:$0x1E000] =	vst v63  }
0x33: {  	s24 =	sadd.s32 $0x2000, s24;
	s29 =	smov.u32 s28;
	_ =	swait.ge [sflag:s11], $0x2000  }
0x34: {  	p1 =	sgt.u32 s30, $0x1B;
	s25 =	sadd.s32 $0x80, s25;
	[sflag:s11] =	ssyncset.done $0x0  }
0x35: {  	s28 =	sadd.s32 $0x80, s28;
	s30 =	simm.s32 @!p1 $0x40;
	[sflag:s11] =	ssyncadd.s32 $0xFFFFE000  }
0x36: {  	s22 =	sadd.s32 $0x1, s22  }
0x37: {  	p0 =	sne.s32 s22, $0xA  }
.Ltmp1:
0x38: {  	_ = 	snop;
	(pc) =	sbr.rel @p0 .LBB2_2-.Ltmp1, $2  }
0x39: {  	_ =	sdelay $0x2  }
0x3a: {  	[tilespmem:s26], [sflag:$0x1] =	stream.indirect.gather @!p1 [hbm4b:s5+s30], $0x80, s29, s30, $0xb8;
	[tilespmem:$0x1E000] =	vst v63  }
0x3b: {  	s4 =	sadd.s32 $0x1, s4  }
0x3c: {  	p0 =	sne.s32 s4, s9  }
.Ltmp2:
0x3d: {  	[bflag:$0x0] =	sbarrier.arrive $0xFFFF;
	(pc) =	sbr.rel @p0 .LBB2_1-.Ltmp2, $4  }
0x3e: {  	[hbm:s8], [sflag:s6] =	dma.local [spmem:s10], $0x2800  }
0x3f: {  	_ =	swait.ge [sflag:s11], $0x2800  }
0x40: {  	[sflag:s11] =	ssyncset.done $0x0  }
0x41: {  	[sflag:s11] =	ssyncadd.s32 $0xFFFFD800  }
0x42: {  	_ =	sfence.sel $0x180000  }
0x43: {  	[bflag:$0x0] =	sbarrier.arrive $0xFFFF  }
0x44: {  	p0 =	sne.s32 s3, $0x0;
	_ =	strace $0x9000004A  }
0x45: {  	s0 =	sadd.s32 @!p0 $0x100000, s0;
	[bflag:$0x2] =	sbarrier.arrive $0xFFFF  }
0x46: {  	[sflag:s0] =	ssyncadd.tile.s32 @!p0 $0x1;
	_ =	shalt  }
.Lfunc_end2:
_tile_overlayer_lowered:
.L_overlay_start_2:
0x47: {  	(tag) =	ssettag $0x2  }
0x48: {  	s0 =	rddreg [dreg:$0x0];
	s2 =	stileid.u32  }
0x49: {  	s1 =	rddreg [dreg:$0x1];
	p0 =	sne.s32 s2, $0x0  }
0x4a: {  	s3 =	rddreg [dreg:$0x2];
	[bflag:$0x3] =	sbarrier.arrive $0xFFFF;
	s2 =	simm.s32 @!p0 $0x1C02  }
0x4b: {  	[timem:s3], [sflag:s2] =	dma.local @!p0 [hbm:s0], s1  }
0x4c: {  	s0 =	simm.s32 @!p0 $0x2  }
0x4d: {  	_ =	swait.ge @!p0 [sflag:s0], s1  }
0x4e: {  	s1 =	ssub.s32 @!p0 $0x0, s1;
	[sflag:s0] =	ssyncset.done @!p0 $0x0  }
0x4f: {  	[sflag:s0] =	ssyncadd.s32 @!p0 s1  }
0x50: {  	[bflag:$0x3] =	sbarrier.arrive $0xFFFF  }
0x51: {  	_ =	shalt  }

// kernel: kernel.15.cloned.1.call-start
scs
__scs_entry_jumppad:
0x0: {  	(pc) =	sbr.rel $0x88, $3  }
0x1: {  	(tag) =	ssettag $0x0;
	lr =	simm.s32 $0x1  }
0x2: {  	[smem:$0x3F94] =	sst lr;
	_ =	strace $0xD0000000  }
0x3: {  	_ = 	snop  }
0x4: {  	_ = 	snop  }
0x5: {  	_ = 	snop  }
0x6: {  	_ = 	snop  }
0x7: {  	_ = 	snop  }
__scs_overlays_trampoline_lowered:
0x8: {  	[smem:$0x3FA3] =	sst s0  }
0x9: {  	[smem:$0x3FA4] =	sst s1  }
0xa: {  	[smem:$0x3FA5] =	sst s2  }
0xb: {  	[smem:$0x3FA6] =	sst s3  }
0xc: {  	[smem:$0x3FA7] =	sst s4  }
0xd: {  	[smem:$0x3FA8] =	sst s5  }
0xe: {  	[smem:$0x3FA9] =	sst s6  }
0xf: {  	[smem:$0x3FAA] =	sst s7  }
0x10: {  	[smem:$0x3FAB] =	sst s8  }
0x11: {  	[smem:$0x3FAC] =	sst s9;
	s0 =	simm.s32 @!p0 $0x0  }
0x12: {  	s1 =	sld [smem:$0x3F92];
	s0 =	simm.s32 @p0 $0x1  }
0x13: {  	[smem:$0x3FAD] =	sst s0;
	s0 =	simm.s32 @!p1 $0x0  }
0x14: {  	s2 =	sld [smem:$0x3F91];
	s0 =	simm.s32 @p1 $0x1  }
0x15: {  	[smem:$0x3FAE] =	sst s0;
	s0 =	simm.s32 @!p2 $0x0  }
0x16: {  	s3 =	sld [smem:$0x3FDB];
	s0 =	simm.s32 @p2 $0x1  }
0x17: {  	s4 =	simm.s32 $0x1BF5;
	[smem:$0x3FB0] =	sst s0  }
0x18: {  	s0 =	sld [smem:$0x3F93];
	_ =	swait.ge [sflag:s4], $0x0  }
0x19: {  	s7 =	sld [smem:$0x3F94]  }
0x1a: {  	s8 =	sadd.s32 $0xFFFFE003, lr  }
0x1b: {  	s9 =	sadd.s32 $0xFFFFFEF7, lr;
	s5 =	simm.s32 $0xFFFFFFFF;
	p2 =	slt.u32 s8, $0xFFFFF086  }
0x1c: {  	p1 =	slt.u32 s9, $0xF7A;
	s5 =	simm.s32 @!p2 $0x0  }
0x1d: {  	s5 =	simm.s32 @p1 $0x1;
	p0 =	seq.s32 s7, s2  }
0x1e: {  	s7 =	smul.u32 @!p0 $0xF7A, s2;
	p2 =	seq.s32 @!p0 s5, $0x0  }
0x1f: {  	s9 =	smul.u32 $0xF7A, s1;
	s8 =	simm.s32 @!p0 $0x1BF5;
	p2 =	por !p2, p0  }
0x20: {  	[sflag:s8] =	ssyncset.s32 @!p0 $0xFFFFF086;
	s6 =	sadd.s32 @!p0 s3, s7;
	s7 =	simm.s32 @!p0 $0x108  }
0x21: {  	s3 =	sadd.s32 s3, s9;
	s6 =	sadd.s32 @!p0 $0x88, s6;
	s7 =	simm.s32 @p2 $0x1082  }
0x22: {  	[simem:s7], [sflag:s8] =	dma.local @!p0 [hbm:s6], $0xF7A  }
0x23: {  	s9 =	sor.u32 $0xD0000000, s2;
	s6 =	simm.s32 $0x108;
	_ =	swait.ge @!p0 [sflag:s8], $0x0  }
0x24: {  	s3 =	sadd.s32 $0x88, s3;
	s6 =	simm.s32 @!p1 $0x1082;
	[sflag:s4] =	ssyncset.s32 $0xFFFFF086  }
0x25: {  	[simem:s6], [sflag:s4] =	dma.local [hbm:s3], $0xF7A  }
0x26: {  	[smem:$0x3F94] =	sst s1;
	(tag) =	ssettag s2;
	_ =	strace s9  }
0x27: {  	s1 =	sld [smem:$0x3FA4]  }
0x28: {  	s2 =	sld [smem:$0x3FA5]  }
0x29: {  	s4 =	sld [smem:$0x3FA7]  }
0x2a: {  	p0 =	seq.s32 s5, $0x0;
	s5 =	sld [smem:$0x3FA8]  }
0x2b: {  	s6 =	sld [smem:$0x3FA9]  }
0x2c: {  	s7 =	sld [smem:$0x3FAA]  }
0x2d: {  	s3 =	simm.s32 $0x108;
	s8 =	sld [smem:$0x3FAB]  }
0x2e: {  	s3 =	simm.s32 @!p0 $0x1082;
	s9 =	sld [smem:$0x3FAC]  }
0x2f: {  	lr =	sadd.s32 s0, s3;
	s0 =	sld [smem:$0x3FA3]  }
0x30: {  	s3 =	sld [smem:$0x3FA6]  }
0x31: {  	[smem:$0x3FAF] =	sst s10  }
0x32: {  	s10 =	sld [smem:$0x3FAD];
	_ =	sdelay $0x3  }
0x33: {  	p0 =	seq.s32 s10, $0x1;
	s10 =	sld [smem:$0x3FAF];
	_ =	sdelay $0x3  }
0x34: {  	[smem:$0x3FAF] =	sst s10  }
0x35: {  	s10 =	sld [smem:$0x3FAE];
	_ =	sdelay $0x3  }
0x36: {  	p1 =	seq.s32 s10, $0x1;
	s10 =	sld [smem:$0x3FAF];
	_ =	sdelay $0x3  }
0x37: {  	[smem:$0x3FAF] =	sst s10  }
0x38: {  	s10 =	sld [smem:$0x3FB0]  }
0x39: {  	_ = 	snop;
	(pc) =	sbr.ind lr, $3  }
0x3a: {  	_ = 	snop  }
0x3b: {  	_ = 	snop  }
0x3c: {  	p2 =	seq.s32 s10, $0x1;
	s10 =	sld [smem:$0x3FAF]  }
0x3d: {  	_ =	shalt  }
0x3e: {  	_ =	shalt  }
0x3f: {  	_ =	shalt  }
0x40: {  	_ =	shalt  }
0x41: {  	_ =	shalt  }
0x42: {  	_ =	shalt  }
0x43: {  	_ =	shalt  }
0x44: {  	_ =	shalt  }
0x45: {  	_ =	shalt  }
0x46: {  	_ =	shalt  }
0x47: {  	_ =	shalt  }
0x48: {  	_ =	shalt  }
0x49: {  	_ =	shalt  }
0x4a: {  	_ =	shalt  }
0x4b: {  	_ =	shalt  }
0x4c: {  	_ =	shalt  }
0x4d: {  	_ =	shalt  }
0x4e: {  	_ =	shalt  }
0x4f: {  	_ =	shalt  }
0x50: {  	_ =	shalt  }
0x51: {  	_ =	shalt  }
0x52: {  	_ =	shalt  }
0x53: {  	_ =	shalt  }
0x54: {  	_ =	shalt  }
0x55: {  	_ =	shalt  }
0x56: {  	_ =	shalt  }
0x57: {  	_ =	shalt  }
0x58: {  	_ =	shalt  }
0x59: {  	_ =	shalt  }
0x5a: {  	_ =	shalt  }
0x5b: {  	_ =	shalt  }
0x5c: {  	_ =	shalt  }
0x5d: {  	_ =	shalt  }
0x5e: {  	_ =	shalt  }
0x5f: {  	_ =	shalt  }
0x60: {  	_ =	shalt  }
0x61: {  	_ =	shalt  }
0x62: {  	_ =	shalt  }
0x63: {  	_ =	shalt  }
0x64: {  	_ =	shalt  }
0x65: {  	_ =	shalt  }
0x66: {  	_ =	shalt  }
0x67: {  	_ =	shalt  }
0x68: {  	_ =	shalt  }
0x69: {  	_ =	shalt  }
0x6a: {  	_ =	shalt  }
0x6b: {  	_ =	shalt  }
0x6c: {  	_ =	shalt  }
0x6d: {  	_ =	shalt  }
0x6e: {  	_ =	shalt  }
0x6f: {  	_ =	shalt  }
0x70: {  	_ =	shalt  }
0x71: {  	_ =	shalt  }
0x72: {  	_ =	shalt  }
0x73: {  	_ =	shalt  }
0x74: {  	_ =	shalt  }
0x75: {  	_ =	shalt  }
0x76: {  	_ =	shalt  }
0x77: {  	_ =	shalt  }
0x78: {  	_ =	shalt  }
0x79: {  	_ =	shalt  }
0x7a: {  	_ =	shalt  }
0x7b: {  	_ =	shalt  }
0x7c: {  	_ =	shalt  }
0x7d: {  	_ =	shalt  }
0x7e: {  	_ =	shalt  }
0x7f: {  	_ =	shalt  }
0x80: {  	_ =	shalt  }
0x81: {  	_ =	shalt  }
0x82: {  	_ =	shalt  }
0x83: {  	_ =	shalt  }
0x84: {  	_ =	shalt  }
0x85: {  	_ =	shalt  }
0x86: {  	_ =	shalt  }
0x87: {  	_ =	shalt  }
.Lfunc_end0:
.L_simem_size_0:
called_computation.2_lowered:
.L_overlay_start_0:
0x88: {  	s2 =	sld [smem:$0x3FD9]  }
0x89: {  	s3 =	sld [smem:$0x3FFE];
	_ =	sdelay $0x1  }
0x8a: {  	s1 =	srdreg.scid  }
0x8b: {  	s0 =	sand.u32 $0x1, s1  }
0x8c: {  	s17 =	sshll.u32 s0, $0xA;
	s2 =	sadd.s32 s3, s2  }
0x8d: {  	s2 =	sadd.s32 s2, s17  }
0x8e: {  	[smem:$0x3FBB] =	sst s2  }
0x8f: {  	_ = 	snop  }
0x90: {  	s2 =	sld [smem:$0x3FD0];
	(tm) =	ssettm $0x1  }
0x91: {  	s18 =	sld [smem:$0x3FFB];
	_ =	sdelay $0x3  }
0x92: {  	_ =	strace s18  }
0x93: {  	s3 =	sld [smem:$0x3FFC];
	_ =	sdelay $0x3  }
0x94: {  	_ =	strace s3  }
0x95: {  	s3 =	sld [smem:$0x3FFD];
	_ =	sdelay $0x3  }
0x96: {  	_ =	strace s3  }
0x97: {  	_ =	strace $0x8FFFFFFF  }
0x98: {  	s19 =	sld [smem:$0x3FDB];
	_ =	sdelay $0x1  }
0x99: {  	s4 =	simm.s32 $_scs_section_size  }
0x9a: {  	s5 =	simm.s32 $_size__tile_overlayer_lowered;
	s6 =	simm.s32 $_tile_overlayer_lowered  }
0x9b: {  	s22 =	simm.s32 $0x1BFF;
	s21 =	sshll.u32 s6, $0x1;
	s3 =	sadd.s32 s4, s19  }
0x9c: {  	s7 =	simm.s32 $0x0;
	s20 =	sshll.u32 s5, $0x1;
	s5 =	sadd.s32 s21, s3  }
0x9d: {  	[timem:s7], [sflag:s22] =	dma.local [hbm:s5], s20  }
0x9e: {  	_ =	swait.ge [sflag:s22], s20  }
0x9f: {  	s4 =	ssub.s32 $0x0, s20;
	[sflag:s22] =	ssyncset.done $0x0  }
0xa0: {  	[sflag:s22] =	ssyncadd.s32 s4;
	_ =	sdelay $0x1  }
0xa1: {  	s23 =	simm.s32 $0x1B8B  }
0xa2: {  	_ =	swait.ge [sflag:s23], $0x1  }
0xa3: {  	[sflag:s23] =	ssyncset.done $0x0  }
0xa4: {  	s25 =	simm.s32 $0x1B8E;
	s24 =	sld [smem:$0x3FFE];
	[sflag:s23] =	ssyncadd.s32 $0xFFFFFFFF  }
0xa5: {  	s26 =	simm.s32 $execute0_lowered;
	[smem:$0x3FD2] =	sst s25  }
0xa6: {  	s5 =	sshll.u32 s26, $0x1;
	_ =	strace $0x8000004C;
	[dreg:$0x1] =	wrdreg $0xFFFFFFFF  }
0xa7: {  	s28 =	simm.s32 $_size_execute0_lowered;
	s3 =	sadd.s32 s3, s5;
	[dreg:$0x0] =	wrdreg $0x0  }
0xa8: {  	s5 =	sshll.u32 s28, $0x1;
	[dreg:$0x2] =	wrdreg s3  }
0xa9: {  	[dreg:$0x3] =	wrdreg s5  }
0xaa: {  	[dreg:$0x4] =	wrdreg $0xC0  }
0xab: {  	_ =	task [dreg:s7], $0x5FFFF  }
0xac: {  	[dreg:$0x1] =	wrdreg $0xFFFFFFFF  }
0xad: {  	[dreg:$0x0] =	wrdreg $0x60  }
0xae: {  	[dreg:$0x2] =	wrdreg s24  }
0xaf: {  	[dreg:$0x3] =	wrdreg s2  }
0xb0: {  	[dreg:$0x4] =	wrdreg $0xA0000  }
0xb1: {  	[dreg:$0x5] =	wrdreg $0x9  }
0xb2: {  	_ =	task.clear_ibuf [dreg:s7], $0x6FFFF;
	_ =	strace $0x9000004C  }
0xb3: {  	s29 =	simm.s32 $0x9;
	_ =	strace $0x8000004E  }
0xb4: {  	_ =	swait.ge [sflag:s29], $0x1  }
0xb5: {  	[sflag:s29] =	ssyncadd.s32 $0xFFFFFFFF  }
0xb6: {  	_ =	strace $0x9000004E  }
0xb7: {  	_ =	sfence  }
0xb8: {  	s30 =	sld [smem:$0x0];
	_ =	sdelay $0x2  }
0xb9: {  	s31 =	sshll.u32 s1, $0xD;
	s1 =	sshrl.u32 s1, $0x2  }
0xba: {  	s3 =	sand.u32 $0x4000, s31;
	s1 =	sadd.s32 s1, s30  }
0xbb: {  	s0 =	sor.u32 s3, s0;
	s1 =	sshll.u32 s1, $0x11  }
0xbc: {  	s0 =	sor.u32 s1, s0  }
0xbd: {  	s0 =	sadd.s32 $0x8F2B, s0  }
0xbe: {  	[sflag:s0] =	ssyncadd.remote.s32 $0x1  }
0xbf: {  	_ =	sfence.sel $0xFFFF  }
0xc0: {  	[dreg:$0x0] =	wrdreg $0xFFFFFFFF;
	(pc) =	sbr.abs _section_cstart, $3  }
0xc1: {  	[dreg:$0x1] =	wrdreg $0xFFFFFFFF  }
0xc2: {  	_ =	task.clear_ibuf [dreg:s7], $0x2FFFF;
	_ =	strace $0x9FFFFFFF  }
0xc3: {  	(tm) =	ssettm $0x7FFFFFFF  }
tec
execute0_lowered:
.L_overlay_start_1:
0x0: {  	(tag) =	ssettag $0x1  }
0x1: {  	s6 =	rddreg [dreg:$0x0]  }
0x2: {  	s1 =	rddreg [dreg:$0x1]  }
0x3: {  	s2 =	rddreg [dreg:$0x2];
	s3 =	srdreg.scid  }
0x4: {  	s0 =	rddreg [dreg:$0x3];
	s4 =	simm.s32 $0x0;
	s15 =	simm.s32 $0x80  }
0x5: {  	s16 =	simm.s32 $0x4000;
	s17 =	simm.s32 $0x100;
	s7 =	sand.u32 $0x1, s3  }
0x6: {  	s18 =	simm.s32 $0x6000;
	s3 =	stileid.u32;
	s8 =	smul.u32 $0x14000, s7  }
0x7: {  	s19 =	simm.s32 $0x180;
	s20 =	simm.s32 $0x8000;
	s9 =	smul.u32 $0x2800, s3  }
0x8: {  	s21 =	simm.s32 $0x1;
	[smem:$0x7FF] =	sst s4;
	s10 =	smul.u32 $0x28000, s7  }
0x9: {  	s5 =	sadd.s32 $0x3EC00, s6;
	_ =	strace $0x8000004D;
	s12 =	smul.u32 $0x1400, s3  }
0xa: {  	s7 =	ssub.s32 $0x2, s7;
	s28 =	smul.u32 $0x50000, s3;
	s31 =	sshll.u32 s3, $0x6  }
0xb: {  	s29 =	sshrl.u32 s7, $0x1;
	s8 =	sadd.s32 s8, s6;
	s9 =	sadd.s32 s9, s10  }
0xc: {  	s11 =	sadd.s32 s12, s6;
	s13 =	ssub.s32 s7, s29;
	s30 =	sshrl.u32 s28, $0x2  }
0xd: {  	s9 =	sadd.s32 s9, s6;
	s10 =	sadd.s32 s30, s2;
	s6 =	sor.u32 $0x1C02, s31  }
0xe: {  	s14 =	sadd.s32 $0x2C00, s8;
	s7 =	sadd.s32 $0x2AC00, s11;
	s11 =	simm.s32 $0x2  }
0xf: {  	s8 =	sadd.s32 $0xDEC00, s9;
	s9 =	smax.u32 s13, $0x1;
	s10 =	sshrl.u32 s10, $0x3  }
0x10: {  	s12 =	sadd.s32 s12, s14;
	s13 =	simm.s32 $0x40;
	s14 =	simm.s32 $0x2000  }
.LBB2_1:
0x11: {  	[spmem:s10], [sflag:s6] =	dma.local [hbm:s1], $0x2800  }
0x12: {  	_ =	swait.ge [sflag:s11], $0x2800  }
0x13: {  	[sflag:s11] =	ssyncset.done $0x0  }
0x14: {  	[sflag:s11] =	ssyncadd.s32 $0xFFFFD800  }
0x15: {  	s22 =	simm.s32 $0x0;
	[bflag:$0x0] =	sbarrier.arrive $0xFFFF  }
.LBB2_2:
0x16: {  	s23 =	sshll.u32 s22, $0x9  }
0x17: {  	s25 =	simm.s32 $0x0;
	s24 =	sadd.s32 s23, s12  }
0x18: {  	[tilespmem:s25], [sflag:$0x2] =	stream.linear.gather [hbm4b:s24+s25], $0x1000, $0x38;
	[tilespmem:$0x1E000] =	vst v63  }
0x19: {  	_ =	swait.ge [sflag:s11], $0x1000  }
0x1a: {  	[sflag:s11] =	ssyncset.done $0x0  }
0x1b: {  	s23 =	sadd.s32 s23, s7;
	s24 =	simm.s32 $0x1000;
	[sflag:s11] =	ssyncadd.s32 $0xFFFFF000  }
0x1c: {  	[tilespmem:s24], [sflag:$0x2] =	stream.linear.gather [hbm4b:s23+s25], $0x1000, $0x38;
	[tilespmem:$0x1E000] =	vst v63  }
0x1d: {  	_ =	swait.ge [sflag:s11], $0x1000  }
0x1e: {  	[sflag:s11] =	ssyncset.done $0x0  }
0x1f: {  	[sflag:s11] =	ssyncadd.s32 $0xFFFFF000  }
0x20: {  	[tilespmem:s14], [sflag:$0x1] =	stream.indirect.gather [hbm4b:s5+s13], $0x80, s25, s13, $0xb8;
	[tilespmem:$0x1E000] =	vst v63  }
0x21: {  	_ = 	snop  }
0x22: {  	[tilespmem:s16], [sflag:$0x1] =	stream.indirect.gather [hbm4b:s5+s13], $0x80, s15, s13, $0xb8;
	[tilespmem:$0x1E000] =	vst v63  }
0x23: {  	_ = 	snop  }
0x24: {  	[tilespmem:s18], [sflag:$0x1] =	stream.indirect.gather [hbm4b:s5+s13], $0x80, s17, s13, $0xb8;
	[tilespmem:$0x1E000] =	vst v63  }
0x25: {  	_ = 	snop  }
0x26: {  	[tilespmem:s20], [sflag:$0x1] =	stream.indirect.gather [hbm4b:s5+s13], $0x80, s19, s13, $0xb8;
	[tilespmem:$0x1E000] =	vst v63  }
0x27: {  	_ =	swait.ge [sflag:s21], $0x2000  }
0x28: {  	s31 =	sand.u32 $0x6000, s25;
	[sflag:s21] =	ssyncset.done $0x0  }
0x29: {  	s29 =	simm.s32 $0x200;
	s26 =	sadd.s32 $0x2000, s31;
	[sflag:s21] =	ssyncadd.s32 $0xFFFFE000  }
0x2a: {  	[spmem:s2] =	stream.indirect.scatter.add.f32 [tilespmem:s26], [sflag:$0x2], $0x80, s24, s13, $0xb8;
	[tilespmem:$0x1E000] =	vst v63  }
0x2b: {  	p1 =	por $0x0, $0x0;
	s28 =	simm.s32 $0x280;
	_ =	swait.ge [sflag:s11], $0x2000  }
0x2c: {  	s30 =	simm.s32 @!p1 $0x40;
	s23 =	simm.s32 $0x1;
	[sflag:s11] =	ssyncset.done $0x0  }
0x2d: {  	s25 =	simm.s32 $0x1080;
	s24 =	simm.s32 $0x2000;
	[sflag:s11] =	ssyncadd.s32 $0xFFFFE000  }
.LBB2_3:
0x2e: {  	[tilespmem:s26], [sflag:$0x1] =	stream.indirect.gather @!p1 [hbm4b:s5+s30], $0x80, s29, s30, $0xb8;
	[tilespmem:$0x1E000] =	vst v63  }
0x2f: {  	s30 =	smov.u32 s23;
	s23 =	sadd.s32 $0x1, s23;
	_ =	swait.ge [sflag:s21], $0x2000  }
0x30: {  	s26 =	sand.u32 $0x6000, s24;
	p0 =	sne.s32 s23, $0x20;
	[sflag:s21] =	ssyncset.done $0x0  }
.Ltmp0:
0x31: {  	s26 =	sadd.s32 $0x2000, s26;
	[sflag:s21] =	ssyncadd.s32 $0xFFFFE000;
	(pc) =	sbr.rel @p0 .LBB2_3-.Ltmp0, $4  }
0x32: {  	[spmem:s2] =	stream.indirect.scatter.add.f32 [tilespmem:s26], [sflag:$0x2], $0x80, s25, s13, $0xb8;
	[tilespmem:$0x1E000] =	vst v63  }
0x33: {  	s24 =	sadd.s32 $0x2000, s24;
	s29 =	smov.u32 s28;
	_ =	swait.ge [sflag:s11], $0x2000  }
0x34: {  	p1 =	sgt.u32 s30, $0x1B;
	s25 =	sadd.s32 $0x80, s25;
	[sflag:s11] =	ssyncset.done $0x0  }
0x35: {  	s28 =	sadd.s32 $0x80, s28;
	s30 =	simm.s32 @!p1 $0x40;
	[sflag:s11] =	ssyncadd.s32 $0xFFFFE000  }
0x36: {  	s22 =	sadd.s32 $0x1, s22  }
0x37: {  	p0 =	sne.s32 s22, $0xA  }
.Ltmp1:
0x38: {  	_ = 	snop;
	(pc) =	sbr.rel @p0 .LBB2_2-.Ltmp1, $2  }
0x39: {  	_ =	sdelay $0x2  }
0x3a: {  	[tilespmem:s26], [sflag:$0x1] =	stream.indirect.gather @!p1 [hbm4b:s5+s30], $0x80, s29, s30, $0xb8;
	[tilespmem:$0x1E000] =	vst v63  }
0x3b: {  	s4 =	sadd.s32 $0x1, s4  }
0x3c: {  	p0 =	sne.s32 s4, s9  }
.Ltmp2:
0x3d: {  	[bflag:$0x0] =	sbarrier.arrive $0xFFFF;
	(pc) =	sbr.rel @p0 .LBB2_1-.Ltmp2, $4  }
0x3e: {  	[hbm:s8], [sflag:s6] =	dma.local [spmem:s10], $0x2800  }
0x3f: {  	_ =	swait.ge [sflag:s11], $0x2800  }
0x40: {  	[sflag:s11] =	ssyncset.done $0x0  }
0x41: {  	[sflag:s11] =	ssyncadd.s32 $0xFFFFD800  }
0x42: {  	_ =	sfence.sel $0x180000  }
0x43: {  	[bflag:$0x0] =	sbarrier.arrive $0xFFFF  }
0x44: {  	p0 =	sne.s32 s3, $0x0;
	_ =	strace $0x9000004D  }
0x45: {  	s0 =	sadd.s32 @!p0 $0x100000, s0;
	[bflag:$0x2] =	sbarrier.arrive $0xFFFF  }
0x46: {  	[sflag:s0] =	ssyncadd.tile.s32 @!p0 $0x1;
	_ =	shalt  }
.Lfunc_end2:
_tile_overlayer_lowered:
.L_overlay_start_2:
0x47: {  	(tag) =	ssettag $0x2  }
0x48: {  	s0 =	rddreg [dreg:$0x0];
	s2 =	stileid.u32  }
0x49: {  	s1 =	rddreg [dreg:$0x1];
	p0 =	sne.s32 s2, $0x0  }
0x4a: {  	s3 =	rddreg [dreg:$0x2];
	[bflag:$0x3] =	sbarrier.arrive $0xFFFF;
	s2 =	simm.s32 @!p0 $0x1C02  }
0x4b: {  	[timem:s3], [sflag:s2] =	dma.local @!p0 [hbm:s0], s1  }
0x4c: {  	s0 =	simm.s32 @!p0 $0x2  }
0x4d: {  	_ =	swait.ge @!p0 [sflag:s0], s1  }
0x4e: {  	s1 =	ssub.s32 @!p0 $0x0, s1;
	[sflag:s0] =	ssyncset.done @!p0 $0x0  }
0x4f: {  	[sflag:s0] =	ssyncadd.s32 @!p0 s1  }
0x50: {  	[bflag:$0x3] =	sbarrier.arrive $0xFFFF  }
0x51: {  	_ =	shalt  }

// kernel: kernel.9.cloned.1.call-start
scs
__scs_entry_jumppad:
0x0: {  	(pc) =	sbr.rel $0x88, $3  }
0x1: {  	(tag) =	ssettag $0x0;
	lr =	simm.s32 $0x1  }
0x2: {  	[smem:$0x3F94] =	sst lr;
	_ =	strace $0xD0000000  }
0x3: {  	_ = 	snop  }
0x4: {  	_ = 	snop  }
0x5: {  	_ = 	snop  }
0x6: {  	_ = 	snop  }
0x7: {  	_ = 	snop  }
__scs_overlays_trampoline_lowered:
0x8: {  	[smem:$0x3FA3] =	sst s0  }
0x9: {  	[smem:$0x3FA4] =	sst s1  }
0xa: {  	[smem:$0x3FA5] =	sst s2  }
0xb: {  	[smem:$0x3FA6] =	sst s3  }
0xc: {  	[smem:$0x3FA7] =	sst s4  }
0xd: {  	[smem:$0x3FA8] =	sst s5  }
0xe: {  	[smem:$0x3FA9] =	sst s6  }
0xf: {  	[smem:$0x3FAA] =	sst s7  }
0x10: {  	[smem:$0x3FAB] =	sst s8  }
0x11: {  	[smem:$0x3FAC] =	sst s9;
	s0 =	simm.s32 @!p0 $0x0  }
0x12: {  	s1 =	sld [smem:$0x3F92];
	s0 =	simm.s32 @p0 $0x1  }
0x13: {  	[smem:$0x3FAD] =	sst s0;
	s0 =	simm.s32 @!p1 $0x0  }
0x14: {  	s2 =	sld [smem:$0x3F91];
	s0 =	simm.s32 @p1 $0x1  }
0x15: {  	[smem:$0x3FAE] =	sst s0;
	s0 =	simm.s32 @!p2 $0x0  }
0x16: {  	s3 =	sld [smem:$0x3FDB];
	s0 =	simm.s32 @p2 $0x1  }
0x17: {  	s4 =	simm.s32 $0x1BF5;
	[smem:$0x3FB0] =	sst s0  }
0x18: {  	s0 =	sld [smem:$0x3F93];
	_ =	swait.ge [sflag:s4], $0x0  }
0x19: {  	s7 =	sld [smem:$0x3F94]  }
0x1a: {  	s8 =	sadd.s32 $0xFFFFE003, lr  }
0x1b: {  	s9 =	sadd.s32 $0xFFFFFEF7, lr;
	s5 =	simm.s32 $0xFFFFFFFF;
	p2 =	slt.u32 s8, $0xFFFFF086  }
0x1c: {  	p1 =	slt.u32 s9, $0xF7A;
	s5 =	simm.s32 @!p2 $0x0  }
0x1d: {  	s5 =	simm.s32 @p1 $0x1;
	p0 =	seq.s32 s7, s2  }
0x1e: {  	s7 =	smul.u32 @!p0 $0xF7A, s2;
	p2 =	seq.s32 @!p0 s5, $0x0  }
0x1f: {  	s9 =	smul.u32 $0xF7A, s1;
	s8 =	simm.s32 @!p0 $0x1BF5;
	p2 =	por !p2, p0  }
0x20: {  	[sflag:s8] =	ssyncset.s32 @!p0 $0xFFFFF086;
	s6 =	sadd.s32 @!p0 s3, s7;
	s7 =	simm.s32 @!p0 $0x108  }
0x21: {  	s3 =	sadd.s32 s3, s9;
	s6 =	sadd.s32 @!p0 $0x88, s6;
	s7 =	simm.s32 @p2 $0x1082  }
0x22: {  	[simem:s7], [sflag:s8] =	dma.local @!p0 [hbm:s6], $0xF7A  }
0x23: {  	s9 =	sor.u32 $0xD0000000, s2;
	s6 =	simm.s32 $0x108;
	_ =	swait.ge @!p0 [sflag:s8], $0x0  }
0x24: {  	s3 =	sadd.s32 $0x88, s3;
	s6 =	simm.s32 @!p1 $0x1082;
	[sflag:s4] =	ssyncset.s32 $0xFFFFF086  }
0x25: {  	[simem:s6], [sflag:s4] =	dma.local [hbm:s3], $0xF7A  }
0x26: {  	[smem:$0x3F94] =	sst s1;
	(tag) =	ssettag s2;
	_ =	strace s9  }
0x27: {  	s1 =	sld [smem:$0x3FA4]  }
0x28: {  	s2 =	sld [smem:$0x3FA5]  }
0x29: {  	s4 =	sld [smem:$0x3FA7]  }
0x2a: {  	p0 =	seq.s32 s5, $0x0;
	s5 =	sld [smem:$0x3FA8]  }
0x2b: {  	s6 =	sld [smem:$0x3FA9]  }
0x2c: {  	s7 =	sld [smem:$0x3FAA]  }
0x2d: {  	s3 =	simm.s32 $0x108;
	s8 =	sld [smem:$0x3FAB]  }
0x2e: {  	s3 =	simm.s32 @!p0 $0x1082;
	s9 =	sld [smem:$0x3FAC]  }
0x2f: {  	lr =	sadd.s32 s0, s3;
	s0 =	sld [smem:$0x3FA3]  }
0x30: {  	s3 =	sld [smem:$0x3FA6]  }
0x31: {  	[smem:$0x3FAF] =	sst s10  }
0x32: {  	s10 =	sld [smem:$0x3FAD];
	_ =	sdelay $0x3  }
0x33: {  	p0 =	seq.s32 s10, $0x1;
	s10 =	sld [smem:$0x3FAF];
	_ =	sdelay $0x3  }
0x34: {  	[smem:$0x3FAF] =	sst s10  }
0x35: {  	s10 =	sld [smem:$0x3FAE];
	_ =	sdelay $0x3  }
0x36: {  	p1 =	seq.s32 s10, $0x1;
	s10 =	sld [smem:$0x3FAF];
	_ =	sdelay $0x3  }
0x37: {  	[smem:$0x3FAF] =	sst s10  }
0x38: {  	s10 =	sld [smem:$0x3FB0]  }
0x39: {  	_ = 	snop;
	(pc) =	sbr.ind lr, $3  }
0x3a: {  	_ = 	snop  }
0x3b: {  	_ = 	snop  }
0x3c: {  	p2 =	seq.s32 s10, $0x1;
	s10 =	sld [smem:$0x3FAF]  }
0x3d: {  	_ =	shalt  }
0x3e: {  	_ =	shalt  }
0x3f: {  	_ =	shalt  }
0x40: {  	_ =	shalt  }
0x41: {  	_ =	shalt  }
0x42: {  	_ =	shalt  }
0x43: {  	_ =	shalt  }
0x44: {  	_ =	shalt  }
0x45: {  	_ =	shalt  }
0x46: {  	_ =	shalt  }
0x47: {  	_ =	shalt  }
0x48: {  	_ =	shalt  }
0x49: {  	_ =	shalt  }
0x4a: {  	_ =	shalt  }
0x4b: {  	_ =	shalt  }
0x4c: {  	_ =	shalt  }
0x4d: {  	_ =	shalt  }
0x4e: {  	_ =	shalt  }
0x4f: {  	_ =	shalt  }
0x50: {  	_ =	shalt  }
0x51: {  	_ =	shalt  }
0x52: {  	_ =	shalt  }
0x53: {  	_ =	shalt  }
0x54: {  	_ =	shalt  }
0x55: {  	_ =	shalt  }
0x56: {  	_ =	shalt  }
0x57: {  	_ =	shalt  }
0x58: {  	_ =	shalt  }
0x59: {  	_ =	shalt  }
0x5a: {  	_ =	shalt  }
0x5b: {  	_ =	shalt  }
0x5c: {  	_ =	shalt  }
0x5d: {  	_ =	shalt  }
0x5e: {  	_ =	shalt  }
0x5f: {  	_ =	shalt  }
0x60: {  	_ =	shalt  }
0x61: {  	_ =	shalt  }
0x62: {  	_ =	shalt  }
0x63: {  	_ =	shalt  }
0x64: {  	_ =	shalt  }
0x65: {  	_ =	shalt  }
0x66: {  	_ =	shalt  }
0x67: {  	_ =	shalt  }
0x68: {  	_ =	shalt  }
0x69: {  	_ =	shalt  }
0x6a: {  	_ =	shalt  }
0x6b: {  	_ =	shalt  }
0x6c: {  	_ =	shalt  }
0x6d: {  	_ =	shalt  }
0x6e: {  	_ =	shalt  }
0x6f: {  	_ =	shalt  }
0x70: {  	_ =	shalt  }
0x71: {  	_ =	shalt  }
0x72: {  	_ =	shalt  }
0x73: {  	_ =	shalt  }
0x74: {  	_ =	shalt  }
0x75: {  	_ =	shalt  }
0x76: {  	_ =	shalt  }
0x77: {  	_ =	shalt  }
0x78: {  	_ =	shalt  }
0x79: {  	_ =	shalt  }
0x7a: {  	_ =	shalt  }
0x7b: {  	_ =	shalt  }
0x7c: {  	_ =	shalt  }
0x7d: {  	_ =	shalt  }
0x7e: {  	_ =	shalt  }
0x7f: {  	_ =	shalt  }
0x80: {  	_ =	shalt  }
0x81: {  	_ =	shalt  }
0x82: {  	_ =	shalt  }
0x83: {  	_ =	shalt  }
0x84: {  	_ =	shalt  }
0x85: {  	_ =	shalt  }
0x86: {  	_ =	shalt  }
0x87: {  	_ =	shalt  }
.Lfunc_end0:
.L_simem_size_0:
called_computation_lowered:
.L_overlay_start_0:
0x88: {  	s2 =	sld [smem:$0x3FD9]  }
0x89: {  	s3 =	sld [smem:$0x3FFE];
	_ =	sdelay $0x1  }
0x8a: {  	s1 =	srdreg.scid  }
0x8b: {  	s0 =	sand.u32 $0x1, s1  }
0x8c: {  	s17 =	sshll.u32 s0, $0xA;
	s2 =	sadd.s32 s3, s2  }
0x8d: {  	s2 =	sadd.s32 s2, s17  }
0x8e: {  	[smem:$0x3FBB] =	sst s2  }
0x8f: {  	_ = 	snop  }
0x90: {  	s2 =	sld [smem:$0x3FD0];
	(tm) =	ssettm $0x1  }
0x91: {  	s18 =	sld [smem:$0x3FFB];
	_ =	sdelay $0x3  }
0x92: {  	_ =	strace s18  }
0x93: {  	s3 =	sld [smem:$0x3FFC];
	_ =	sdelay $0x3  }
0x94: {  	_ =	strace s3  }
0x95: {  	s3 =	sld [smem:$0x3FFD];
	_ =	sdelay $0x3  }
0x96: {  	_ =	strace s3  }
0x97: {  	_ =	strace $0x8FFFFFFF  }
0x98: {  	s19 =	sld [smem:$0x3FDB];
	_ =	sdelay $0x1  }
0x99: {  	s4 =	simm.s32 $_scs_section_size  }
0x9a: {  	s5 =	simm.s32 $_size__tile_overlayer_lowered;
	s6 =	simm.s32 $_tile_overlayer_lowered  }
0x9b: {  	s22 =	simm.s32 $0x1BFF;
	s21 =	sshll.u32 s6, $0x1;
	s3 =	sadd.s32 s4, s19  }
0x9c: {  	s7 =	simm.s32 $0x0;
	s20 =	sshll.u32 s5, $0x1;
	s5 =	sadd.s32 s21, s3  }
0x9d: {  	[timem:s7], [sflag:s22] =	dma.local [hbm:s5], s20  }
0x9e: {  	_ =	swait.ge [sflag:s22], s20  }
0x9f: {  	s4 =	ssub.s32 $0x0, s20;
	[sflag:s22] =	ssyncset.done $0x0  }
0xa0: {  	[sflag:s22] =	ssyncadd.s32 s4;
	_ =	sdelay $0x1  }
0xa1: {  	s23 =	simm.s32 $0x1B8B  }
0xa2: {  	_ =	swait.ge [sflag:s23], $0x1  }
0xa3: {  	[sflag:s23] =	ssyncset.done $0x0  }
0xa4: {  	s25 =	simm.s32 $0x1B8E;
	s24 =	sld [smem:$0x3FFE];
	[sflag:s23] =	ssyncadd.s32 $0xFFFFFFFF  }
0xa5: {  	s26 =	simm.s32 $execute0_lowered;
	[smem:$0x3FD2] =	sst s25  }
0xa6: {  	s5 =	sshll.u32 s26, $0x1;
	_ =	strace $0x80000046;
	[dreg:$0x1] =	wrdreg $0xFFFFFFFF  }
0xa7: {  	s28 =	simm.s32 $_size_execute0_lowered;
	s3 =	sadd.s32 s3, s5;
	[dreg:$0x0] =	wrdreg $0x0  }
0xa8: {  	s5 =	sshll.u32 s28, $0x1;
	[dreg:$0x2] =	wrdreg s3  }
0xa9: {  	[dreg:$0x3] =	wrdreg s5  }
0xaa: {  	[dreg:$0x4] =	wrdreg $0xC0  }
0xab: {  	_ =	task [dreg:s7], $0x5FFFF  }
0xac: {  	[dreg:$0x1] =	wrdreg $0xFFFFFFFF  }
0xad: {  	[dreg:$0x0] =	wrdreg $0x60  }
0xae: {  	[dreg:$0x2] =	wrdreg s24  }
0xaf: {  	[dreg:$0x3] =	wrdreg s2  }
0xb0: {  	[dreg:$0x4] =	wrdreg $0xA0000  }
0xb1: {  	[dreg:$0x5] =	wrdreg $0x1E0800  }
0xb2: {  	[dreg:$0x6] =	wrdreg $0x9  }
0xb3: {  	_ =	task.clear_ibuf [dreg:s7], $0x7FFFF;
	_ =	strace $0x90000046  }
0xb4: {  	s29 =	simm.s32 $0x9;
	_ =	strace $0x80000048  }
0xb5: {  	_ =	swait.ge [sflag:s29], $0x1  }
0xb6: {  	[sflag:s29] =	ssyncadd.s32 $0xFFFFFFFF  }
0xb7: {  	_ =	strace $0x90000048  }
0xb8: {  	_ =	sfence  }
0xb9: {  	s30 =	sld [smem:$0x0];
	_ =	sdelay $0x2  }
0xba: {  	s31 =	sshll.u32 s1, $0xD;
	s1 =	sshrl.u32 s1, $0x2  }
0xbb: {  	s3 =	sand.u32 $0x4000, s31;
	s1 =	sadd.s32 s1, s30  }
0xbc: {  	s0 =	sor.u32 s3, s0;
	s1 =	sshll.u32 s1, $0x11  }
0xbd: {  	s0 =	sor.u32 s1, s0  }
0xbe: {  	s0 =	sadd.s32 $0x8F2B, s0  }
0xbf: {  	[sflag:s0] =	ssyncadd.remote.s32 $0x1  }
0xc0: {  	_ =	sfence.sel $0xFFFF  }
0xc1: {  	[dreg:$0x0] =	wrdreg $0xFFFFFFFF;
	(pc) =	sbr.abs _section_cstart, $3  }
0xc2: {  	[dreg:$0x1] =	wrdreg $0xFFFFFFFF  }
0xc3: {  	_ =	task.clear_ibuf [dreg:s7], $0x2FFFF;
	_ =	strace $0x9FFFFFFF  }
0xc4: {  	(tm) =	ssettm $0x7FFFFFFF  }
0xc5: {  	_ =	shalt  }
tec
execute0_lowered:
.L_overlay_start_1:
0x0: {  	(tag) =	ssettag $0x1  }
0x1: {  	s0 =	rddreg [dreg:$0x0];
	s1 =	srdreg.scid  }
0x2: {  	s3 =	rddreg [dreg:$0x2];
	s14 =	stileid.u32  }
0x3: {  	s4 =	rddreg [dreg:$0x3];
	s5 =	simm.s32 $0x0;
	s15 =	simm.s32 $0x3  }
0x4: {  	s16 =	simm.s32 $0x1E000;
	s19 =	simm.s32 $0x1000;
	s20 =	simm.s32 $0x40  }
0x5: {  	s21 =	simm.s32 $0x2000;
	s28 =	simm.s32 $0x8000;
	s29 =	simm.s32 $0x1  }
0x6: {  	s30 =	simm.s32 $0x2;
	s1 =	sand.u32 $0x1, s1;
	s7 =	smul.u32 $0x1400, s14  }
0x7: {  	s8 =	smul.u32 $0x280, s14;
	[smem:$0x7FF] =	sst s5;
	s6 =	sadd.s32 $0x3EC00, s0  }
0x8: {  	s11 =	sadd.s32 $0xDEC00, s0;
	s22 =	sadd.s32 $0xDEE00, s0;
	s13 =	smul.u32 $0x50000, s14  }
0x9: {  	s2 =	smul.u32 $0x14000, s1;
	_ =	strace $0x80000047;
	[dreg:$0x5] =	wrdreg s11  }
0xa: {  	s26 =	sshll.u32 s14, $0x6;
	s9 =	smul.u32 $0x2800, s1;
	[dreg:$0x6] =	wrdreg s22  }
0xb: {  	s12 =	ssub.s32 $0x2, s1;
	p0 =	seq.s32 s1, $0x0;
	s22 =	simm.s32 $0x80  }
0xc: {  	s10 =	sadd.s32 s7, s0;
	s23 =	sshrl.u32 s8, $0x3;
	s24 =	sshrl.u32 s12, $0x1  }
0xd: {  	s25 =	sshrl.u32 s13, $0x2;
	s13 =	sor.u32 $0x1C03, s26;
	s26 =	simm.s32 $0x180  }
0xe: {  	s2 =	sadd.s32 s2, s0;
	s9 =	sadd.s32 s8, s9;
	s11 =	ssub.s32 s12, s24  }
0xf: {  	s12 =	sadd.s32 s25, s3;
	s8 =	sadd.s32 s8, s4;
	s10 =	sadd.s32 $0x2AC00, s10  }
0x10: {  	s24 =	simm.s32 $0x100;
	s25 =	simm.s32 $0x6000;
	s9 =	sshll.u32 s9, $0x4  }
0x11: {  	s2 =	sadd.s32 $0x2C00, s2;
	s31 =	smax.u32 s11, $0x1;
	s12 =	sshrl.u32 s12, $0x3  }
0x12: {  	s14 =	sshrl.u32 @!p0 s8, $0x3;
	s8 =	simm.s32 $0x1F00;
	s11 =	simm.s32 $0x1F80  }
.Ltmp0:
0x13: {  	s9 =	sadd.s32 s9, s0;
	[dreg:$0xa] =	wrdreg s31;
	(pc) =	sbr.rel .LBB2_1-.Ltmp0, $4  }
0x14: {  	s18 =	sadd.s32 s7, s2;
	s2 =	smov.u32 s13;
	[dreg:$0xb] =	wrdreg s12  }
0x15: {  	s0 =	sadd.s32 s23, s0;
	s9 =	sadd.s32 $0xDF600, s9;
	[dreg:$0x7] =	wrdreg s2  }
0x16: {  	s23 =	simm.s32 $0x4000;
	s0 =	sadd.s32 $0xDF000, s0;
	[dreg:$0x8] =	wrdreg s9  }
0x17: {  	s7 =	simm.s32 $0x1E80;
	[dreg:$0x9] =	wrdreg s0;
	s0 =	simm.s32 $0x0  }
.LBB2_9:
0x18: {  	[bflag:$0x0] =	sbarrier.arrive $0xFFFF  }
0x19: {  	s2 =	rddreg [dreg:$0x7]  }
0x1a: {  	s1 =	rddreg [dreg:$0x8]  }
0x1b: {  	s12 =	rddreg [dreg:$0xb]  }
0x1c: {  	[hbm:s1], [sflag:s2] =	dma.local [spmem:s12], $0x2800  }
0x1d: {  	_ =	swait.ge [sflag:s15], $0x2800  }
0x1e: {  	[sflag:s15] =	ssyncset.done $0x0  }
0x1f: {  	s1 =	rddreg [dreg:$0x9];
	[sflag:s15] =	ssyncadd.s32 $0xFFFFD800  }
0x20: {  	[hbm:s1], [sflag:s2] =	dma.local @!p0 [spmem:s14], $0x50  }
0x21: {  	s1 =	simm.s32 @!p0 $0x3  }
0x22: {  	_ =	swait.ge @!p0 [sflag:s1], $0x50  }
0x23: {  	s0 =	rddreg [dreg:$0xc]  }
0x24: {  	s9 =	rddreg [dreg:$0xa];
	s0 =	sadd.s32 $0x1, s0  }
0x25: {  	p1 =	sne.s32 s0, s9  }
.Ltmp1:
0x26: {  	_ = 	snop;
	(pc) =	sbr.rel @!p1 .LBB2_10-.Ltmp1, $3  }
0x27: {  	_ =	sdelay $0x1  }
0x28: {  	[sflag:s1] =	ssyncset.done @!p0 $0x0  }
0x29: {  	[sflag:s1] =	ssyncadd.s32 @!p0 $0xFFFFFFB0  }
.LBB2_1:
0x2a: {  	[dreg:$0xc] =	wrdreg s0  }
0x2b: {  	s1 =	rddreg [dreg:$0x1]  }
0x2c: {  	[spmem:s12], [sflag:s2] =	dma.local [hbm:s1], $0x2800  }
0x2d: {  	_ =	swait.ge [sflag:s15], $0x2800  }
0x2e: {  	[sflag:s15] =	ssyncset.done $0x0  }
0x2f: {  	s31 =	rddreg [dreg:$0x6];
	[sflag:s15] =	ssyncadd.s32 $0xFFFFD800  }
0x30: {  	[tilespmem:s16], [sflag:$0x3] =	stream.linear.gather [hbm4b:s31+s5], $0x80, $0x38;
	[tilespmem:$0x1E300] =	vst v63  }
0x31: {  	_ =	swait.ge [sflag:s15], $0x80  }
0x32: {  	[sflag:s15] =	ssyncset.done $0x0  }
0x33: {  	s1 =	rddreg [dreg:$0x5];
	[sflag:s15] =	ssyncadd.s32 $0xFFFFFF80  }
0x34: {  	[spmem:s14], [sflag:s2] =	dma.local @!p0 [hbm:s1], $0x50  }
0x35: {  	s1 =	simm.s32 @!p0 $0x3  }
.Ltmp2:
0x36: {  	_ =	swait.ge @!p0 [sflag:s1], $0x50;
	(pc) =	sbr.rel .LBB2_2-.Ltmp2, $4  }
0x37: {  	[sflag:s1] =	ssyncset.done @!p0 $0x0  }
0x38: {  	[sflag:s1] =	ssyncadd.s32 @!p0 $0xFFFFFFB0  }
0x39: {  	[bflag:$0x0] =	sbarrier.arrive $0xFFFF  }
0x3a: {  	s12 =	simm.s32 $0x0  }
.LBB2_8:
0x3b: {  	s12 =	sadd.s32 $0x1, s12  }
0x3c: {  	p1 =	sne.s32 s12, $0xA  }
.Ltmp3:
0x3d: {  	_ = 	snop;
	(pc) =	sbr.rel @!p1 .LBB2_9-.Ltmp3, $1  }
0x3e: {  	_ =	sdelay $0x3  }
.LBB2_2:
0x3f: {  	s1 =	sshll.u32 s12, $0x9  }
0x40: {  	s2 =	sadd.s32 s1, s18  }
0x41: {  	[tilespmem:s5], [sflag:$0x3] =	stream.linear.gather [hbm4b:s2+s5], $0x1000, $0x38;
	[tilespmem:$0x1E300] =	vst v63  }
0x42: {  	_ =	swait.ge [sflag:s15], $0x1000  }
0x43: {  	[sflag:s15] =	ssyncset.done $0x0  }
.Ltmp4:
0x44: {  	s1 =	sadd.s32 s1, s10;
	[sflag:s15] =	ssyncadd.s32 $0xFFFFF000;
	(pc) =	sbr.rel @p0 .LBB2_4-.Ltmp4, $4  }
0x45: {  	[tilespmem:s19], [sflag:$0x3] =	stream.linear.gather [hbm4b:s1+s5], $0x1000, $0x38;
	[tilespmem:$0x1E300] =	vst v63  }
0x46: {  	_ =	swait.ge [sflag:s15], $0x1000  }
0x47: {  	[sflag:s15] =	ssyncset.done $0x0  }
0x48: {  	s0 =	smov.u32 s14;
	[sflag:s15] =	ssyncadd.s32 $0xFFFFF000  }
0x49: {  	[spmem:s4] =	stream.indirect.scatter.add.f32 [tilespmem:s16], [sflag:$0x2], $0x1, s19, s20, $0xb8;
	[tilespmem:$0x1E300] =	vst v63  }
0x4a: {  	s1 =	simm.s32 $0x1080  }
0x4b: {  	[spmem:s4] =	stream.indirect.scatter.add.f32 [tilespmem:s16], [sflag:$0x2], $0x1, s1, s20, $0xb8;
	[tilespmem:$0x1E300] =	vst v63  }
0x4c: {  	s14 =	simm.s32 $0x1100  }
0x4d: {  	[spmem:s4] =	stream.indirect.scatter.add.f32 [tilespmem:s16], [sflag:$0x2], $0x1, s14, s20, $0xb8;
	[tilespmem:$0x1E300] =	vst v63  }
0x4e: {  	s17 =	simm.s32 $0x1180  }
0x4f: {  	[spmem:s4] =	stream.indirect.scatter.add.f32 [tilespmem:s16], [sflag:$0x2], $0x1, s17, s20, $0xb8;
	[tilespmem:$0x1E300] =	vst v63  }
0x50: {  	s31 =	simm.s32 $0x1200  }
0x51: {  	[spmem:s4] =	stream.indirect.scatter.add.f32 [tilespmem:s16], [sflag:$0x2], $0x1, s31, s20, $0xb8;
	[tilespmem:$0x1E300] =	vst v63  }
0x52: {  	s2 =	simm.s32 $0x1280  }
0x53: {  	[spmem:s4] =	stream.indirect.scatter.add.f32 [tilespmem:s16], [sflag:$0x2], $0x1, s2, s20, $0xb8;
	[tilespmem:$0x1E300] =	vst v63  }
0x54: {  	s9 =	simm.s32 $0x1300  }
0x55: {  	[spmem:s4] =	stream.indirect.scatter.add.f32 [tilespmem:s16], [sflag:$0x2], $0x1, s9, s20, $0xb8;
	[tilespmem:$0x1E300] =	vst v63  }
0x56: {  	s13 =	simm.s32 $0x1380  }
0x57: {  	[spmem:s4] =	stream.indirect.scatter.add.f32 [tilespmem:s16], [sflag:$0x2], $0x1, s13, s20, $0xb8;
	[tilespmem:$0x1E300] =	vst v63  }
0x58: {  	s14 =	simm.s32 $0x1400  }
0x59: {  	[spmem:s4] =	stream.indirect.scatter.add.f32 [tilespmem:s16], [sflag:$0x2], $0x1, s14, s20, $0xb8;
	[tilespmem:$0x1E300] =	vst v63  }
0x5a: {  	s17 =	simm.s32 $0x1480  }
0x5b: {  	[spmem:s4] =	stream.indirect.scatter.add.f32 [tilespmem:s16], [sflag:$0x2], $0x1, s17, s20, $0xb8;
	[tilespmem:$0x1E300] =	vst v63  }
0x5c: {  	s31 =	simm.s32 $0x1500  }
0x5d: {  	[spmem:s4] =	stream.indirect.scatter.add.f32 [tilespmem:s16], [sflag:$0x2], $0x1, s31, s20, $0xb8;
	[tilespmem:$0x1E300] =	vst v63  }
0x5e: {  	s2 =	simm.s32 $0x1580  }
0x5f: {  	[spmem:s4] =	stream.indirect.scatter.add.f32 [tilespmem:s16], [sflag:$0x2], $0x1, s2, s20, $0xb8;
	[tilespmem:$0x1E300] =	vst v63  }
0x60: {  	s9 =	simm.s32 $0x1600  }
0x61: {  	[spmem:s4] =	stream.indirect.scatter.add.f32 [tilespmem:s16], [sflag:$0x2], $0x1, s9, s20, $0xb8;
	[tilespmem:$0x1E300] =	vst v63  }
0x62: {  	s13 =	simm.s32 $0x1680  }
0x63: {  	[spmem:s4] =	stream.indirect.scatter.add.f32 [tilespmem:s16], [sflag:$0x2], $0x1, s13, s20, $0xb8;
	[tilespmem:$0x1E300] =	vst v63  }
0x64: {  	s14 =	simm.s32 $0x1700  }
0x65: {  	[spmem:s4] =	stream.indirect.scatter.add.f32 [tilespmem:s16], [sflag:$0x2], $0x1, s14, s20, $0xb8;
	[tilespmem:$0x1E300] =	vst v63  }
0x66: {  	s17 =	simm.s32 $0x1780  }
0x67: {  	[spmem:s4] =	stream.indirect.scatter.add.f32 [tilespmem:s16], [sflag:$0x2], $0x1, s17, s20, $0xb8;
	[tilespmem:$0x1E300] =	vst v63  }
0x68: {  	s31 =	simm.s32 $0x1800  }
0x69: {  	[spmem:s4] =	stream.indirect.scatter.add.f32 [tilespmem:s16], [sflag:$0x2], $0x1, s31, s20, $0xb8;
	[tilespmem:$0x1E300] =	vst v63  }
0x6a: {  	s2 =	simm.s32 $0x1880  }
0x6b: {  	[spmem:s4] =	stream.indirect.scatter.add.f32 [tilespmem:s16], [sflag:$0x2], $0x1, s2, s20, $0xb8;
	[tilespmem:$0x1E300] =	vst v63  }
0x6c: {  	s9 =	simm.s32 $0x1900  }
0x6d: {  	[spmem:s4] =	stream.indirect.scatter.add.f32 [tilespmem:s16], [sflag:$0x2], $0x1, s9, s20, $0xb8;
	[tilespmem:$0x1E300] =	vst v63  }
0x6e: {  	s13 =	simm.s32 $0x1980  }
0x6f: {  	[spmem:s4] =	stream.indirect.scatter.add.f32 [tilespmem:s16], [sflag:$0x2], $0x1, s13, s20, $0xb8;
	[tilespmem:$0x1E300] =	vst v63  }
0x70: {  	s14 =	simm.s32 $0x1A00  }
0x71: {  	[spmem:s4] =	stream.indirect.scatter.add.f32 [tilespmem:s16], [sflag:$0x2], $0x1, s14, s20, $0xb8;
	[tilespmem:$0x1E300] =	vst v63  }
0x72: {  	s17 =	simm.s32 $0x1A80  }
0x73: {  	[spmem:s4] =	stream.indirect.scatter.add.f32 [tilespmem:s16], [sflag:$0x2], $0x1, s17, s20, $0xb8;
	[tilespmem:$0x1E300] =	vst v63  }
0x74: {  	s31 =	simm.s32 $0x1B00  }
0x75: {  	[spmem:s4] =	stream.indirect.scatter.add.f32 [tilespmem:s16], [sflag:$0x2], $0x1, s31, s20, $0xb8;
	[tilespmem:$0x1E300] =	vst v63  }
0x76: {  	s2 =	simm.s32 $0x1B80  }
0x77: {  	[spmem:s4] =	stream.indirect.scatter.add.f32 [tilespmem:s16], [sflag:$0x2], $0x1, s2, s20, $0xb8;
	[tilespmem:$0x1E300] =	vst v63  }
0x78: {  	s9 =	simm.s32 $0x1C00  }
0x79: {  	[spmem:s4] =	stream.indirect.scatter.add.f32 [tilespmem:s16], [sflag:$0x2], $0x1, s9, s20, $0xb8;
	[tilespmem:$0x1E300] =	vst v63  }
0x7a: {  	s13 =	simm.s32 $0x1C80  }
0x7b: {  	[spmem:s4] =	stream.indirect.scatter.add.f32 [tilespmem:s16], [sflag:$0x2], $0x1, s13, s20, $0xb8;
	[tilespmem:$0x1E300] =	vst v63  }
0x7c: {  	s14 =	simm.s32 $0x1D00  }
0x7d: {  	[spmem:s4] =	stream.indirect.scatter.add.f32 [tilespmem:s16], [sflag:$0x2], $0x1, s14, s20, $0xb8;
	[tilespmem:$0x1E300] =	vst v63  }
0x7e: {  	s17 =	simm.s32 $0x1D80  }
0x7f: {  	[spmem:s4] =	stream.indirect.scatter.add.f32 [tilespmem:s16], [sflag:$0x2], $0x1, s17, s20, $0xb8;
	[tilespmem:$0x1E300] =	vst v63  }
0x80: {  	s31 =	simm.s32 $0x1E00  }
0x81: {  	[spmem:s4] =	stream.indirect.scatter.add.f32 [tilespmem:s16], [sflag:$0x2], $0x1, s31, s20, $0xb8;
	[tilespmem:$0x1E300] =	vst v63  }
0x82: {  	_ = 	snop  }
0x83: {  	[spmem:s4] =	stream.indirect.scatter.add.f32 [tilespmem:s16], [sflag:$0x2], $0x1, s7, s20, $0xb8;
	[tilespmem:$0x1E300] =	vst v63  }
0x84: {  	_ = 	snop  }
0x85: {  	[spmem:s4] =	stream.indirect.scatter.add.f32 [tilespmem:s16], [sflag:$0x2], $0x1, s8, s20, $0xb8;
	[tilespmem:$0x1E300] =	vst v63  }
0x86: {  	_ = 	snop  }
0x87: {  	[spmem:s4] =	stream.indirect.scatter.add.f32 [tilespmem:s16], [sflag:$0x2], $0x1, s11, s20, $0xb8;
	[tilespmem:$0x1E300] =	vst v63  }
.LBB2_4:
0x88: {  	s1 =	simm.s32 $0x0  }
0x89: {  	[tilespmem:s21], [sflag:$0x1] =	stream.indirect.gather [hbm4b:s6+s20], $0x80, s1, s20, $0xb8;
	[tilespmem:$0x1E300] =	vst v63  }
0x8a: {  	_ = 	snop  }
0x8b: {  	[tilespmem:s23], [sflag:$0x1] =	stream.indirect.gather [hbm4b:s6+s20], $0x80, s22, s20, $0xb8;
	[tilespmem:$0x1E300] =	vst v63  }
0x8c: {  	_ = 	snop  }
0x8d: {  	[tilespmem:s25], [sflag:$0x1] =	stream.indirect.gather [hbm4b:s6+s20], $0x80, s24, s20, $0xb8;
	[tilespmem:$0x1E300] =	vst v63  }
0x8e: {  	_ = 	snop  }
0x8f: {  	[tilespmem:s28], [sflag:$0x1] =	stream.indirect.gather [hbm4b:s6+s20], $0x80, s26, s20, $0xb8;
	[tilespmem:$0x1E300] =	vst v63  }
0x90: {  	_ =	swait.ge [sflag:s29], $0x2000  }
0x91: {  	s2 =	simm.s32 $0x200;
	s1 =	sand.u32 $0x6000, s1;
	[sflag:s29] =	ssyncset.done $0x0  }
0x92: {  	s13 =	simm.s32 $0x1000;
	s9 =	sadd.s32 $0x2000, s1;
	[sflag:s29] =	ssyncadd.s32 $0xFFFFE000  }
0x93: {  	[spmem:s3] =	stream.indirect.scatter.add.f32 [tilespmem:s9], [sflag:$0x3], $0x80, s13, s20, $0xb8;
	[tilespmem:$0x1E300] =	vst v63  }
0x94: {  	s14 =	simm.s32 $0x2000;
	p2 =	por $0x0, $0x0;
	_ =	swait.ge [sflag:s15], $0x2000  }
0x95: {  	s17 =	simm.s32 $0x1080;
	s31 =	simm.s32 $0x280;
	[sflag:s15] =	ssyncset.done $0x0  }
0x96: {  	s1 =	simm.s32 @!p2 $0x40;
	s13 =	simm.s32 $0x1;
	[sflag:s15] =	ssyncadd.s32 $0xFFFFE000  }
.LBB2_5:
0x97: {  	[tilespmem:s9], [sflag:$0x1] =	stream.indirect.gather @!p2 [hbm4b:s6+s1], $0x80, s2, s1, $0xb8;
	[tilespmem:$0x1E300] =	vst v63  }
0x98: {  	s1 =	smov.u32 s13;
	s13 =	sadd.s32 $0x1, s13;
	_ =	swait.ge [sflag:s29], $0x2000  }
0x99: {  	s2 =	sand.u32 $0x6000, s14;
	p1 =	sne.s32 s13, $0x20;
	[sflag:s29] =	ssyncset.done $0x0  }
.Ltmp5:
0x9a: {  	s9 =	sadd.s32 $0x2000, s2;
	[sflag:s29] =	ssyncadd.s32 $0xFFFFE000;
	(pc) =	sbr.rel @p1 .LBB2_5-.Ltmp5, $4  }
0x9b: {  	[spmem:s3] =	stream.indirect.scatter.add.f32 [tilespmem:s9], [sflag:$0x3], $0x80, s17, s20, $0xb8;
	[tilespmem:$0x1E300] =	vst v63  }
0x9c: {  	s14 =	sadd.s32 $0x2000, s14;
	s2 =	smov.u32 s31;
	_ =	swait.ge [sflag:s15], $0x2000  }
0x9d: {  	p2 =	sgt.u32 s1, $0x1B;
	s17 =	sadd.s32 $0x80, s17;
	[sflag:s15] =	ssyncset.done $0x0  }
0x9e: {  	s31 =	sadd.s32 $0x80, s31;
	s1 =	simm.s32 @!p2 $0x40;
	[sflag:s15] =	ssyncadd.s32 $0xFFFFE000  }
.Ltmp6:
0x9f: {  	(pc) =	sbr.rel @p0 .LBB2_8-.Ltmp6, $3  }
0xa0: {  	_ =	sdelay $0x1  }
0xa1: {  	[tilespmem:s9], [sflag:$0x1] =	stream.indirect.gather @!p2 [hbm4b:s6+s1], $0x80, s2, s1, $0xb8;
	[tilespmem:$0x1E300] =	vst v63  }
0xa2: {  	s14 =	smov.u32 s0  }
0xa3: {  	_ =	swait.ge [sflag:s30], $0x40  }
0xa4: {  	[sflag:s30] =	ssyncset.done $0x0  }
0xa5: {  	[sflag:s30] =	ssyncadd.s32 $0xFFFFFFC0  }
0xa6: {  	_ =	swait.ge [sflag:s30], $0x40  }
0xa7: {  	[sflag:s30] =	ssyncset.done $0x0  }
0xa8: {  	[sflag:s30] =	ssyncadd.s32 $0xFFFFFFC0  }
0xa9: {  	_ =	swait.ge [sflag:s30], $0x40  }
0xaa: {  	[sflag:s30] =	ssyncset.done $0x0  }
0xab: {  	[sflag:s30] =	ssyncadd.s32 $0xFFFFFFC0  }
0xac: {  	_ =	swait.ge [sflag:s30], $0x40  }
0xad: {  	[sflag:s30] =	ssyncset.done $0x0  }
0xae: {  	[sflag:s30] =	ssyncadd.s32 $0xFFFFFFC0  }
0xaf: {  	_ =	swait.ge [sflag:s30], $0x40  }
0xb0: {  	[sflag:s30] =	ssyncset.done $0x0  }
0xb1: {  	[sflag:s30] =	ssyncadd.s32 $0xFFFFFFC0  }
0xb2: {  	_ =	swait.ge [sflag:s30], $0x40  }
0xb3: {  	[sflag:s30] =	ssyncset.done $0x0  }
0xb4: {  	[sflag:s30] =	ssyncadd.s32 $0xFFFFFFC0  }
0xb5: {  	_ =	swait.ge [sflag:s30], $0x40  }
0xb6: {  	[sflag:s30] =	ssyncset.done $0x0  }
0xb7: {  	[sflag:s30] =	ssyncadd.s32 $0xFFFFFFC0  }
0xb8: {  	_ =	swait.ge [sflag:s30], $0x40  }
0xb9: {  	[sflag:s30] =	ssyncset.done $0x0  }
0xba: {  	[sflag:s30] =	ssyncadd.s32 $0xFFFFFFC0  }
0xbb: {  	_ =	swait.ge [sflag:s30], $0x40  }
0xbc: {  	[sflag:s30] =	ssyncset.done $0x0  }
0xbd: {  	[sflag:s30] =	ssyncadd.s32 $0xFFFFFFC0  }
0xbe: {  	_ =	swait.ge [sflag:s30], $0x40  }
0xbf: {  	[sflag:s30] =	ssyncset.done $0x0  }
0xc0: {  	[sflag:s30] =	ssyncadd.s32 $0xFFFFFFC0  }
0xc1: {  	_ =	swait.ge [sflag:s30], $0x40  }
0xc2: {  	[sflag:s30] =	ssyncset.done $0x0  }
0xc3: {  	[sflag:s30] =	ssyncadd.s32 $0xFFFFFFC0  }
0xc4: {  	_ =	swait.ge [sflag:s30], $0x40  }
0xc5: {  	[sflag:s30] =	ssyncset.done $0x0  }
0xc6: {  	[sflag:s30] =	ssyncadd.s32 $0xFFFFFFC0  }
0xc7: {  	_ =	swait.ge [sflag:s30], $0x40  }
0xc8: {  	[sflag:s30] =	ssyncset.done $0x0  }
0xc9: {  	[sflag:s30] =	ssyncadd.s32 $0xFFFFFFC0  }
0xca: {  	_ =	swait.ge [sflag:s30], $0x40  }
0xcb: {  	[sflag:s30] =	ssyncset.done $0x0  }
0xcc: {  	[sflag:s30] =	ssyncadd.s32 $0xFFFFFFC0  }
0xcd: {  	_ =	swait.ge [sflag:s30], $0x40  }
0xce: {  	[sflag:s30] =	ssyncset.done $0x0  }
0xcf: {  	[sflag:s30] =	ssyncadd.s32 $0xFFFFFFC0  }
0xd0: {  	_ =	swait.ge [sflag:s30], $0x40  }
0xd1: {  	[sflag:s30] =	ssyncset.done $0x0  }
0xd2: {  	[sflag:s30] =	ssyncadd.s32 $0xFFFFFFC0  }
0xd3: {  	_ =	swait.ge [sflag:s30], $0x40  }
0xd4: {  	[sflag:s30] =	ssyncset.done $0x0  }
0xd5: {  	[sflag:s30] =	ssyncadd.s32 $0xFFFFFFC0  }
0xd6: {  	_ =	swait.ge [sflag:s30], $0x40  }
0xd7: {  	[sflag:s30] =	ssyncset.done $0x0  }
0xd8: {  	[sflag:s30] =	ssyncadd.s32 $0xFFFFFFC0  }
0xd9: {  	_ =	swait.ge [sflag:s30], $0x40  }
0xda: {  	[sflag:s30] =	ssyncset.done $0x0  }
0xdb: {  	[sflag:s30] =	ssyncadd.s32 $0xFFFFFFC0  }
0xdc: {  	_ =	swait.ge [sflag:s30], $0x40  }
0xdd: {  	[sflag:s30] =	ssyncset.done $0x0  }
0xde: {  	[sflag:s30] =	ssyncadd.s32 $0xFFFFFFC0  }
0xdf: {  	_ =	swait.ge [sflag:s30], $0x40  }
0xe0: {  	[sflag:s30] =	ssyncset.done $0x0  }
0xe1: {  	[sflag:s30] =	ssyncadd.s32 $0xFFFFFFC0  }
0xe2: {  	_ =	swait.ge [sflag:s30], $0x40  }
0xe3: {  	[sflag:s30] =	ssyncset.done $0x0  }
0xe4: {  	[sflag:s30] =	ssyncadd.s32 $0xFFFFFFC0  }
0xe5: {  	_ =	swait.ge [sflag:s30], $0x40  }
0xe6: {  	[sflag:s30] =	ssyncset.done $0x0  }
0xe7: {  	[sflag:s30] =	ssyncadd.s32 $0xFFFFFFC0  }
0xe8: {  	_ =	swait.ge [sflag:s30], $0x40  }
0xe9: {  	[sflag:s30] =	ssyncset.done $0x0  }
0xea: {  	[sflag:s30] =	ssyncadd.s32 $0xFFFFFFC0  }
0xeb: {  	_ =	swait.ge [sflag:s30], $0x40  }
0xec: {  	[sflag:s30] =	ssyncset.done $0x0  }
0xed: {  	[sflag:s30] =	ssyncadd.s32 $0xFFFFFFC0  }
0xee: {  	_ =	swait.ge [sflag:s30], $0x40  }
0xef: {  	[sflag:s30] =	ssyncset.done $0x0  }
0xf0: {  	[sflag:s30] =	ssyncadd.s32 $0xFFFFFFC0  }
0xf1: {  	_ =	swait.ge [sflag:s30], $0x40  }
0xf2: {  	[sflag:s30] =	ssyncset.done $0x0  }
0xf3: {  	[sflag:s30] =	ssyncadd.s32 $0xFFFFFFC0  }
0xf4: {  	_ =	swait.ge [sflag:s30], $0x40  }
0xf5: {  	[sflag:s30] =	ssyncset.done $0x0  }
0xf6: {  	[sflag:s30] =	ssyncadd.s32 $0xFFFFFFC0  }
0xf7: {  	_ =	swait.ge [sflag:s30], $0x40  }
0xf8: {  	[sflag:s30] =	ssyncset.done $0x0  }
0xf9: {  	[sflag:s30] =	ssyncadd.s32 $0xFFFFFFC0  }
0xfa: {  	_ =	swait.ge [sflag:s30], $0x40  }
0xfb: {  	[sflag:s30] =	ssyncset.done $0x0  }
0xfc: {  	[sflag:s30] =	ssyncadd.s32 $0xFFFFFFC0  }
0xfd: {  	_ =	swait.ge [sflag:s30], $0x40  }
.Ltmp7:
0xfe: {  	[sflag:s30] =	ssyncset.done $0x0;
	(pc) =	sbr.rel .LBB2_8-.Ltmp7, $4  }
0xff: {  	[sflag:s30] =	ssyncadd.s32 $0xFFFFFFC0  }
0x100: {  	_ =	swait.ge [sflag:s30], $0x40  }
0x101: {  	[sflag:s30] =	ssyncset.done $0x0  }
0x102: {  	[sflag:s30] =	ssyncadd.s32 $0xFFFFFFC0  }
.LBB2_10:
0x103: {  	_ =	sfence.sel $0x180000  }
0x104: {  	[bflag:$0x0] =	sbarrier.arrive $0xFFFF  }
0x105: {  	_ =	strace $0x90000047  }
0x106: {  	s0 =	stileid.u32;
	[bflag:$0x2] =	sbarrier.arrive $0xFFFF  }
0x107: {  	p0 =	sne.s32 s0, $0x0;
	s0 =	rddreg [dreg:$0x4]  }
0x108: {  	s0 =	sadd.s32 @!p0 $0x100000, s0  }
0x109: {  	[sflag:s0] =	ssyncadd.tile.s32 @!p0 $0x1;
	_ =	shalt  }
.Lfunc_end2:
_tile_overlayer_lowered:
.L_overlay_start_2:
0x10a: {  	(tag) =	ssettag $0x2  }
0x10b: {  	s0 =	rddreg [dreg:$0x0];
	s2 =	stileid.u32  }
0x10c: {  	s1 =	rddreg [dreg:$0x1];
	p0 =	sne.s32 s2, $0x0  }
0x10d: {  	s3 =	rddreg [dreg:$0x2];
	[bflag:$0x3] =	sbarrier.arrive $0xFFFF;
	s2 =	simm.s32 @!p0 $0x1C03  }
0x10e: {  	[timem:s3], [sflag:s2] =	dma.local @!p0 [hbm:s0], s1  }
0x10f: {  	s0 =	simm.s32 @!p0 $0x3  }
0x110: {  	_ =	swait.ge @!p0 [sflag:s0], s1  }
0x111: {  	s1 =	ssub.s32 @!p0 $0x0, s1;
	[sflag:s0] =	ssyncset.done @!p0 $0x0  }
0x112: {  	[sflag:s0] =	ssyncadd.s32 @!p0 s1  }
0x113: {  	[bflag:$0x3] =	sbarrier.arrive $0xFFFF  }
0x114: {  	_ =	shalt  }

</sc_bundles>
